<compile_context>
chip_gen: v7x
topology: tpu7x:2x2x1
jax: 0.10.2.dev20260603
libtpu: 0.0.44.dev20260713+nightly
codegen_flags: <defaults>
</compile_context>

<pallas_src>
import functools
import jax
import jax.numpy as jnp
from jax import lax
from jax.experimental import pallas as pl
from jax.experimental.pallas import tpu as pltpu
from jax.experimental.pallas import tpu_sc as plsc

_NUM_BUCKETS = 32
_NUM_HEADS = 16
_S = 2048
_L = 4224
_THS = (12, 16, 23, 32, 46, 64, 91)
_ROWS_PER_W = _S // 2
_NBLK = _ROWS_PER_W // 8
_RING = 4


def _sc_body(w_hbm, out_hbm, wrow_ref, s8_ref, sem):
    cid = lax.axis_index("c")
    sid = lax.axis_index("s")
    wid = sid * 2 + cid
    h = wid // 2
    r0 = (wid % 2) * _ROWS_PER_W

    pltpu.sync_copy(w_hbm.at[h], wrow_ref)
    w_lo = wrow_ref[pl.ds(0, 16)]
    w_hi = wrow_ref[pl.ds(16, 16)]
    lane = lax.iota(jnp.int32, 16)

    def build(c, _):
        m = lane + c * 16
        d = m - (_S - 1)
        base = jnp.where(d > 0, 16, 0).astype(jnp.int32)
        rp = jnp.abs(d)
        large = jnp.full((16,), 8, jnp.int32)
        for t in _THS:
            large = large + jnp.where(rp >= t, 1, 0).astype(jnp.int32)
        bucket = base + jnp.where(rp < 8, rp, large)
        b16 = jnp.bitwise_and(bucket, 15)
        val = jnp.where(
            bucket < 16,
            w_lo.at[b16].get(mode="promise_in_bounds"),
            w_hi.at[b16].get(mode="promise_in_bounds"),
        )
        for r in range(8):
            s8_ref[r, pl.ds(c * 16 + r + 1, 16)] = val
        return _

    lax.fori_loop(0, (_L - 32) // 16, build, 0)

    def mk(b):
        i0 = r0 + b * 8
        a = _S - i0
        return pltpu.make_async_copy(
            s8_ref.at[:, pl.ds(a, _S)],
            out_hbm.at[0, h, pl.ds(i0, 8), :],
            sem,
        )

    for b in range(_RING):
        mk(b).start()

    def emit(b, _):
        mk(b + _RING).start()
        mk(b).wait()
        return _

    lax.fori_loop(0, _NBLK - _RING, emit, 0)
    for b in range(_RING):
        mk(_NBLK - _RING + b).wait()


def kernel(input_ids, W):
    S = input_ids.shape[1]
    assert S == _S and W.shape == (_NUM_BUCKETS, _NUM_HEADS)
    mesh = plsc.VectorSubcoreMesh(core_axis_name="c", subcore_axis_name="s")
    kfun = functools.partial(
        pl.kernel,
        mesh=mesh,
        compiler_params=pltpu.CompilerParams(use_tc_tiling_on_sc=False),
        out_type=jax.ShapeDtypeStruct((1, _NUM_HEADS, _S, _S), jnp.float32),
        scratch_types=[
            pltpu.VMEM((_NUM_BUCKETS,), jnp.float32),
            pltpu.VMEM((8, _L), jnp.float32),
            pltpu.SemaphoreType.DMA,
        ],
    )(_sc_body)
    return kfun(W.astype(jnp.float32).T)

# --- scband reference (transcript-rebuilt; emitter-appended) ---
"""Pipeline reference for scband-t52-d-1271310320315 (READ-ONLY COPY).

The authoritative reference and input builder live on the scoring server;
editing this copy changes nothing except your own understanding.
"""

import jax, jax.numpy as jnp
import numpy as np

NUM_BUCKETS = 32
MAX_DISTANCE = 128
NUM_HEADS = 16


def _relative_position_bucket(relative_position, bidirectional=True, num_buckets=32, max_distance=128):
    # Faithful port of T5Attention._relative_position_bucket
    relative_buckets = jnp.zeros_like(relative_position)
    if bidirectional:
        num_buckets = num_buckets // 2
        relative_buckets = relative_buckets + (relative_position > 0).astype(relative_position.dtype) * num_buckets
        relative_position = jnp.abs(relative_position)
    else:
        relative_position = -jnp.minimum(relative_position, jnp.zeros_like(relative_position))
    max_exact = num_buckets // 2
    is_small = relative_position < max_exact
    rel_f = relative_position.astype(jnp.float32)
    relative_position_if_large = max_exact + (
        jnp.log(jnp.maximum(rel_f, 1.0) / max_exact)
        / np.log(max_distance / max_exact)
        * (num_buckets - max_exact)
    ).astype(relative_position.dtype)
    relative_position_if_large = jnp.minimum(
        relative_position_if_large,
        jnp.full_like(relative_position_if_large, num_buckets - 1),
    )
    relative_buckets = relative_buckets + jnp.where(is_small, relative_position, relative_position_if_large)
    return relative_buckets


def setup_inputs(seed: int = 0) -> dict:
    key = jax.random.key(seed)
    k1, k2 = jax.random.split(key)
    input_ids = jax.random.randint(k1, (4, 2048), 0, 32000, dtype=jnp.int64)
    # learned relative attention bias embedding table [num_buckets, num_heads]
    W = jax.random.normal(k2, (NUM_BUCKETS, NUM_HEADS), dtype=jnp.float32)
    return {"input_ids": input_ids, "W": W}


def reference(input_ids, W):
    S = input_ids.shape[1]
    # RelativePositionBias1D.prepare_input: positions from arange(seq_len)[None, :]
    positions = jnp.arange(S, dtype=jnp.int32)[None, :]
    context_position = positions[:, :, None]
    memory_position = positions[:, None, :]
    relative_position = memory_position - context_position  # scaling_factor == 1
    rp_bucket = _relative_position_bucket(
        relative_position, bidirectional=True, num_buckets=NUM_BUCKETS, max_distance=MAX_DISTANCE
    )
    # embedding lookup: [1, S, S] -> [1, S, S, H]
    values = jnp.take(W, rp_bucket, axis=0)
    # permute([0, 3, 1, 2]) -> [1, H, S, S]
    values = jnp.transpose(values, (0, 3, 1, 2))
    return values

if __name__ == "__main__":
    import jax
    _d = setup_inputs()
    print(jax.jit(kernel)(*tuple(_d.values())))

</pallas_src>

<mosaic_0001>
#map = affine_map<(d0, d1) -> (0, 0)>
#map1 = affine_map<(d0, d1) -> (0, 0, 0, 0)>
module attributes {stable_mosaic.version = 14 : i64} {
  func.func @_sc_body(%arg0: i32, %arg1: i32, %arg2: memref<16x32xf32, #tpu.memory_space<hbm>>, %arg3: memref<1x16x2048x2048xf32, #tpu.memory_space<hbm>>, %arg4: memref<32xf32, #tpu.memory_space<vmem>>, %arg5: memref<8x4224xf32, #tpu.memory_space<vmem>>, %arg6: memref<!tpu.dma_semaphore, #tpu.memory_space<semaphore_mem>>) attributes {dimension_semantics = [#tpu.dimension_semantics<core_parallel>, #tpu.dimension_semantics<subcore_parallel>], iteration_bounds = array<i64: 2, 16>, scalar_prefetch = 0 : i64, scratch_operands = 3 : i64, tpu.core_type = #tpu.core_type<sc_vector_subcore>, window_params = [{transform_indices = #map}, {transform_indices = #map1}]} {
    %mul3A = arith.constant 2 : i32
    %mul3A_0 = arith.muli %arg1, %mul3A : i32
    %add3A = arith.addi %mul3A_0, %arg0 : i32
    %jit3A = arith.constant 2 : i32
    %div3A = arith.divsi %add3A, %jit3A : i32
    %sign3A = arith.constant 0 : i32
    %sign3A_1 = arith.cmpi sgt, %add3A, %sign3A : i32
    %sign3A_2 = arith.extui %sign3A_1 : i1 to i32
    %sign3A_3 = arith.constant 0 : i32
    %sign3A_4 = arith.cmpi slt, %add3A, %sign3A_3 : i32
    %sign3A_5 = arith.extui %sign3A_4 : i1 to i32
    %sign3A_6 = arith.subi %sign3A_2, %sign3A_5 : i32
    %sign3A_7 = arith.constant 0 : i32
    %sign3A_8 = arith.cmpi sgt, %jit3A, %sign3A_7 : i32
    %sign3A_9 = arith.extui %sign3A_8 : i1 to i32
    %sign3A_10 = arith.constant 0 : i32
    %sign3A_11 = arith.cmpi slt, %jit3A, %sign3A_10 : i32
    %sign3A_12 = arith.extui %sign3A_11 : i1 to i32
    %sign3A_13 = arith.subi %sign3A_9, %sign3A_12 : i32
    %ne3A = arith.cmpi ne, %sign3A_6, %sign3A_13 : i32
    %rem3A = arith.remsi %add3A, %jit3A : i32
    %ne3A_14 = arith.constant 0 : i32
    %ne3A_15 = arith.cmpi ne, %rem3A, %ne3A_14 : i32
    %and3A = arith.andi %ne3A, %ne3A_15 : i1
    %sub3A = arith.constant 1 : i32
    %sub3A_16 = arith.subi %div3A, %sub3A : i32
    %select_n3A = arith.select %and3A, %sub3A_16, %div3A : i32
    %jit3A_17 = arith.constant 2 : i32
    %eq3A = arith.constant 0 : i32
    %eq3A_18 = arith.cmpi eq, %jit3A_17, %eq3A : i32
    %jit3A_19 = arith.constant 1 : i32
    %select_n3A_20 = arith.select %eq3A_18, %jit3A_19, %jit3A_17 : i32
    %rem3A_21 = arith.remsi %add3A, %select_n3A_20 : i32
    %ne3A_22 = arith.constant 0 : i32
    %ne3A_23 = arith.cmpi ne, %rem3A_21, %ne3A_22 : i32
    %lt3A = arith.constant 0 : i32
    %lt3A_24 = arith.cmpi slt, %rem3A_21, %lt3A : i32
    %lt3A_25 = arith.constant 0 : i32
    %lt3A_26 = arith.cmpi slt, %select_n3A_20, %lt3A_25 : i32
    %ne3A_27 = arith.xori %lt3A_24, %lt3A_26 : i1
    %and3A_28 = arith.andi %ne3A_27, %ne3A_23 : i1
    %add3A_29 = arith.addi %rem3A_21, %select_n3A_20 : i32
    %select_n3A_30 = arith.select %and3A_28, %add3A_29, %rem3A_21 : i32
    %mul3A_31 = arith.constant 1024 : i32
    %mul3A_32 = arith.muli %select_n3A_30, %mul3A_31 : i32
    "tpu.region"() ({
      %run_scoped3A = tpu.sem_alloc : memref<!tpu.dma_semaphore, #tpu.memory_space<semaphore_mem>>
      %dma_start3A_167 = arith.constant 0 : i32
      %dma_start3A_168 = tpu.memref_slice %arg2[%select_n3A, %dma_start3A_167] : memref<16x32xf32, #tpu.memory_space<hbm>> -> memref<1x32xf32, #tpu.memory_space<hbm>>
      %dma_start3A_169 = tpu.memref_squeeze %dma_start3A_168 : memref<1x32xf32, #tpu.memory_space<hbm>> -> memref<32xf32, #tpu.memory_space<hbm>>
      %dma_start3A_170 = arith.constant 0 : i32
      %dma_start3A_171 = tpu.memref_slice %arg2[%select_n3A, %dma_start3A_170] : memref<16x32xf32, #tpu.memory_space<hbm>> -> memref<1x32xf32, #tpu.memory_space<hbm>>
      %dma_start3A_172 = tpu.memref_squeeze %dma_start3A_171 : memref<1x32xf32, #tpu.memory_space<hbm>> -> memref<32xf32, #tpu.memory_space<hbm>>
      tpu.enqueue_dma source(%dma_start3A_172 : memref<32xf32, #tpu.memory_space<hbm>>) target(%arg4 : memref<32xf32, #tpu.memory_space<vmem>>) target_semaphore(%run_scoped3A : memref<!tpu.dma_semaphore, #tpu.memory_space<semaphore_mem>>)
      %dma_wait3A_173 = arith.constant 0 : i32
      %dma_wait3A_174 = tpu.memref_slice %arg2[%select_n3A, %dma_wait3A_173] : memref<16x32xf32, #tpu.memory_space<hbm>> -> memref<1x32xf32, #tpu.memory_space<hbm>>
      %dma_wait3A_175 = tpu.memref_squeeze %dma_wait3A_174 : memref<1x32xf32, #tpu.memory_space<hbm>> -> memref<32xf32, #tpu.memory_space<hbm>>
      %dma_wait3A_176 = arith.constant 0 : i32
      %dma_wait3A_177 = tpu.memref_slice %arg2[%select_n3A, %dma_wait3A_176] : memref<16x32xf32, #tpu.memory_space<hbm>> -> memref<1x32xf32, #tpu.memory_space<hbm>>
      %dma_wait3A_178 = tpu.memref_squeeze %dma_wait3A_177 : memref<1x32xf32, #tpu.memory_space<hbm>> -> memref<32xf32, #tpu.memory_space<hbm>>
      tpu.wait_dma2 semaphore(%run_scoped3A : memref<!tpu.dma_semaphore, #tpu.memory_space<semaphore_mem>>) src(%dma_wait3A_178 : memref<32xf32, #tpu.memory_space<hbm>>) dst(%arg4 : memref<32xf32, #tpu.memory_space<vmem>>)
      tpu.yield
    }) : () -> ()
    %get3A = arith.constant 0 : index
    %get3A_33 = tpu.vector_load %arg4[%get3A] {strides = array<i32>} : memref<32xf32, #tpu.memory_space<vmem>>, vector<16xf32>,
    %get3A_34 = vector.shape_cast %get3A_33 : vector<16xf32> to vector<16xf32>
    %get3A_35 = arith.constant 16 : index
    %get3A_36 = tpu.vector_load %arg4[%get3A_35] {strides = array<i32>} : memref<32xf32, #tpu.memory_space<vmem>>, vector<16xf32>,
    %get3A_37 = vector.shape_cast %get3A_36 : vector<16xf32> to vector<16xf32>
    %iota3A = tpu.iota {dimensions = array<i32: 0>} : vector<16xi32>
    %scan3A = arith.constant 0 : i32
    %scan3A_38 = arith.constant 0 : i32
    %scan3A_39 = arith.constant 262 : i32
    %scan3A_40 = arith.addi %scan3A_38, %scan3A_39 : i32
    %scan3A_41 = arith.constant 1 : i32
    scf.for %scan3A_167 = %scan3A_38 to %scan3A_40 step %scan3A_41  : i32 {
      %mul3A_168 = arith.constant 16 : i32
      %mul3A_169 = arith.muli %scan3A_167, %mul3A_168 : i32
      %add3A_170 = vector.broadcast %mul3A_169 : i32 to vector<16xi32>
      %add3A_171 = arith.addi %iota3A, %add3A_170 : vector<16xi32>
      %sub3A_172 = arith.constant 2047 : i32
      %sub3A_173 = vector.broadcast %sub3A_172 : i32 to vector<16xi32>
      %sub3A_174 = arith.subi %add3A_171, %sub3A_173 : vector<16xi32>
      %gt3A = arith.constant 0 : i32
      %gt3A_175 = vector.broadcast %gt3A : i32 to vector<16xi32>
      %gt3A_176 = arith.cmpi sgt, %sub3A_174, %gt3A_175 : vector<16xi32>
      %jit3A_177 = arith.constant 16 : i32
      %jit3A_178 = arith.constant 0 : i32
      %broadcast_in_dim3A = vector.broadcast %jit3A_177 : i32 to vector<16xi32>
      %broadcast_in_dim3A_179 = vector.broadcast %jit3A_178 : i32 to vector<16xi32>
      %select_n3A_180 = arith.select %gt3A_176, %broadcast_in_dim3A, %broadcast_in_dim3A_179 : vector<16xi1>, vector<16xi32>
      %abs3A = math.absi %sub3A_174 : vector<16xi32>
      %broadcast_in_dim3A_181 = arith.constant 8 : i32
      %broadcast_in_dim3A_182 = vector.broadcast %broadcast_in_dim3A_181 : i32 to vector<16xi32>
      %ge3A = arith.constant 12 : i32
      %ge3A_183 = vector.broadcast %ge3A : i32 to vector<16xi32>
      %ge3A_184 = arith.cmpi sge, %abs3A, %ge3A_183 : vector<16xi32>
      %jit3A_185 = arith.constant 1 : i32
      %jit3A_186 = arith.constant 0 : i32
      %broadcast_in_dim3A_187 = vector.broadcast %jit3A_185 : i32 to vector<16xi32>
      %broadcast_in_dim3A_188 = vector.broadcast %jit3A_186 : i32 to vector<16xi32>
      %select_n3A_189 = arith.select %ge3A_184, %broadcast_in_dim3A_187, %broadcast_in_dim3A_188 : vector<16xi1>, vector<16xi32>
      %add3A_190 = arith.addi %broadcast_in_dim3A_182, %select_n3A_189 : vector<16xi32>
      %ge3A_191 = arith.constant 16 : i32
      %ge3A_192 = vector.broadcast %ge3A_191 : i32 to vector<16xi32>
      %ge3A_193 = arith.cmpi sge, %abs3A, %ge3A_192 : vector<16xi32>
      %jit3A_194 = arith.constant 1 : i32
      %jit3A_195 = arith.constant 0 : i32
      %broadcast_in_dim3A_196 = vector.broadcast %jit3A_194 : i32 to vector<16xi32>
      %broadcast_in_dim3A_197 = vector.broadcast %jit3A_195 : i32 to vector<16xi32>
      %select_n3A_198 = arith.select %ge3A_193, %broadcast_in_dim3A_196, %broadcast_in_dim3A_197 : vector<16xi1>, vector<16xi32>
      %add3A_199 = arith.addi %add3A_190, %select_n3A_198 : vector<16xi32>
      %ge3A_200 = arith.constant 23 : i32
      %ge3A_201 = vector.broadcast %ge3A_200 : i32 to vector<16xi32>
      %ge3A_202 = arith.cmpi sge, %abs3A, %ge3A_201 : vector<16xi32>
      %jit3A_203 = arith.constant 1 : i32
      %jit3A_204 = arith.constant 0 : i32
      %broadcast_in_dim3A_205 = vector.broadcast %jit3A_203 : i32 to vector<16xi32>
      %broadcast_in_dim3A_206 = vector.broadcast %jit3A_204 : i32 to vector<16xi32>
      %select_n3A_207 = arith.select %ge3A_202, %broadcast_in_dim3A_205, %broadcast_in_dim3A_206 : vector<16xi1>, vector<16xi32>
      %add3A_208 = arith.addi %add3A_199, %select_n3A_207 : vector<16xi32>
      %ge3A_209 = arith.constant 32 : i32
      %ge3A_210 = vector.broadcast %ge3A_209 : i32 to vector<16xi32>
      %ge3A_211 = arith.cmpi sge, %abs3A, %ge3A_210 : vector<16xi32>
      %jit3A_212 = arith.constant 1 : i32
      %jit3A_213 = arith.constant 0 : i32
      %broadcast_in_dim3A_214 = vector.broadcast %jit3A_212 : i32 to vector<16xi32>
      %broadcast_in_dim3A_215 = vector.broadcast %jit3A_213 : i32 to vector<16xi32>
      %select_n3A_216 = arith.select %ge3A_211, %broadcast_in_dim3A_214, %broadcast_in_dim3A_215 : vector<16xi1>, vector<16xi32>
      %add3A_217 = arith.addi %add3A_208, %select_n3A_216 : vector<16xi32>
      %ge3A_218 = arith.constant 46 : i32
      %ge3A_219 = vector.broadcast %ge3A_218 : i32 to vector<16xi32>
      %ge3A_220 = arith.cmpi sge, %abs3A, %ge3A_219 : vector<16xi32>
      %jit3A_221 = arith.constant 1 : i32
      %jit3A_222 = arith.constant 0 : i32
      %broadcast_in_dim3A_223 = vector.broadcast %jit3A_221 : i32 to vector<16xi32>
      %broadcast_in_dim3A_224 = vector.broadcast %jit3A_222 : i32 to vector<16xi32>
      %select_n3A_225 = arith.select %ge3A_220, %broadcast_in_dim3A_223, %broadcast_in_dim3A_224 : vector<16xi1>, vector<16xi32>
      %add3A_226 = arith.addi %add3A_217, %select_n3A_225 : vector<16xi32>
      %ge3A_227 = arith.constant 64 : i32
      %ge3A_228 = vector.broadcast %ge3A_227 : i32 to vector<16xi32>
      %ge3A_229 = arith.cmpi sge, %abs3A, %ge3A_228 : vector<16xi32>
      %jit3A_230 = arith.constant 1 : i32
      %jit3A_231 = arith.constant 0 : i32
      %broadcast_in_dim3A_232 = vector.broadcast %jit3A_230 : i32 to vector<16xi32>
      %broadcast_in_dim3A_233 = vector.broadcast %jit3A_231 : i32 to vector<16xi32>
      %select_n3A_234 = arith.select %ge3A_229, %broadcast_in_dim3A_232, %broadcast_in_dim3A_233 : vector<16xi1>, vector<16xi32>
      %add3A_235 = arith.addi %add3A_226, %select_n3A_234 : vector<16xi32>
      %ge3A_236 = arith.constant 91 : i32
      %ge3A_237 = vector.broadcast %ge3A_236 : i32 to vector<16xi32>
      %ge3A_238 = arith.cmpi sge, %abs3A, %ge3A_237 : vector<16xi32>
      %jit3A_239 = arith.constant 1 : i32
      %jit3A_240 = arith.constant 0 : i32
      %broadcast_in_dim3A_241 = vector.broadcast %jit3A_239 : i32 to vector<16xi32>
      %broadcast_in_dim3A_242 = vector.broadcast %jit3A_240 : i32 to vector<16xi32>
      %select_n3A_243 = arith.select %ge3A_238, %broadcast_in_dim3A_241, %broadcast_in_dim3A_242 : vector<16xi1>, vector<16xi32>
      %add3A_244 = arith.addi %add3A_235, %select_n3A_243 : vector<16xi32>
      %lt3A_245 = arith.constant 8 : i32
      %lt3A_246 = vector.broadcast %lt3A_245 : i32 to vector<16xi32>
      %lt3A_247 = arith.cmpi slt, %abs3A, %lt3A_246 : vector<16xi32>
      %select_n3A_248 = arith.select %lt3A_247, %abs3A, %add3A_244 : vector<16xi1>, vector<16xi32>
      %add3A_249 = arith.addi %select_n3A_180, %select_n3A_248 : vector<16xi32>
      %and3A_250 = arith.constant 15 : i32
      %and3A_251 = vector.broadcast %and3A_250 : i32 to vector<16xi32>
      %and3A_252 = arith.andi %add3A_249, %and3A_251 : vector<16xi32>
      %lt3A_253 = arith.constant 16 : i32
      %lt3A_254 = vector.broadcast %lt3A_253 : i32 to vector<16xi32>
      %lt3A_255 = arith.cmpi slt, %add3A_249, %lt3A_254 : vector<16xi32>
      %lt3A_256 = arith.constant 0 : i32
      %lt3A_257 = vector.broadcast %lt3A_256 : i32 to vector<16xi32>
      %lt3A_258 = arith.cmpi slt, %and3A_252, %lt3A_257 : vector<16xi32>
      %add3A_259 = arith.constant 16 : i32
      %add3A_260 = vector.broadcast %add3A_259 : i32 to vector<16xi32>
      %add3A_261 = arith.addi %and3A_252, %add3A_260 : vector<16xi32>
      %select_n3A_262 = arith.select %lt3A_258, %add3A_261, %and3A_252 : vector<16xi1>, vector<16xi32>
      %broadcast_in_dim3A_263 = vector.shape_cast %select_n3A_262 : vector<16xi32> to vector<16x1xi32>
      %gather3A = vector.shape_cast %broadcast_in_dim3A_263 : vector<16x1xi32> to vector<16xi32>
      %gather3A_264 = tpu.dynamic_gather %get3A_34[%gather3A] in [0] : vector<16xf32>, vector<16xi32> -> vector<16xf32>
      %lt3A_265 = arith.constant 0 : i32
      %lt3A_266 = vector.broadcast %lt3A_265 : i32 to vector<16xi32>
      %lt3A_267 = arith.cmpi slt, %and3A_252, %lt3A_266 : vector<16xi32>
      %add3A_268 = arith.constant 16 : i32
      %add3A_269 = vector.broadcast %add3A_268 : i32 to vector<16xi32>
      %add3A_270 = arith.addi %and3A_252, %add3A_269 : vector<16xi32>
      %select_n3A_271 = arith.select %lt3A_267, %add3A_270, %and3A_252 : vector<16xi1>, vector<16xi32>
      %broadcast_in_dim3A_272 = vector.shape_cast %select_n3A_271 : vector<16xi32> to vector<16x1xi32>
      %gather3A_273 = vector.shape_cast %broadcast_in_dim3A_272 : vector<16x1xi32> to vector<16xi32>
      %gather3A_274 = tpu.dynamic_gather %get3A_37[%gather3A_273] in [0] : vector<16xf32>, vector<16xi32> -> vector<16xf32>
      %select_n3A_275 = arith.select %lt3A_255, %gather3A_264, %gather3A_274 : vector<16xi1>, vector<16xf32>
      %mul3A_276 = arith.constant 16 : i32
      %mul3A_277 = arith.muli %scan3A_167, %mul3A_276 : i32
      %add3A_278 = arith.constant 0 : i32
      %add3A_279 = arith.addi %mul3A_277, %add3A_278 : i32
      %add3A_280 = arith.constant 1 : i32
      %add3A_281 = arith.addi %add3A_279, %add3A_280 : i32
      %swap3A = arith.constant 0 : i32
      %swap3A_282 = arith.index_cast %swap3A : i32 to index
      %swap3A_283 = arith.index_cast %add3A_281 : i32 to index
      %swap3A_284 = tpu.vector_load %arg5[%swap3A_282, %swap3A_283] {strides = array<i32>} : memref<8x4224xf32, #tpu.memory_space<vmem>>, vector<1x16xf32>,
      %swap3A_285 = vector.shape_cast %swap3A_284 : vector<1x16xf32> to vector<16xf32>
      %swap3A_286 = vector.shape_cast %select_n3A_275 : vector<16xf32> to vector<1x16xf32>
      tpu.vector_store %arg5[%swap3A_282, %swap3A_283], %swap3A_286 {strides = array<i32>} : memref<8x4224xf32, #tpu.memory_space<vmem>>, vector<1x16xf32>,
      %mul3A_287 = arith.constant 16 : i32
      %mul3A_288 = arith.muli %scan3A_167, %mul3A_287 : i32
      %add3A_289 = arith.constant 1 : i32
      %add3A_290 = arith.addi %mul3A_288, %add3A_289 : i32
      %add3A_291 = arith.constant 1 : i32
      %add3A_292 = arith.addi %add3A_290, %add3A_291 : i32
      %swap3A_293 = arith.constant 1 : i32
      %swap3A_294 = arith.index_cast %swap3A_293 : i32 to index
      %swap3A_295 = arith.index_cast %add3A_292 : i32 to index
      %swap3A_296 = tpu.vector_load %arg5[%swap3A_294, %swap3A_295] {strides = array<i32>} : memref<8x4224xf32, #tpu.memory_space<vmem>>, vector<1x16xf32>,
      %swap3A_297 = vector.shape_cast %swap3A_296 : vector<1x16xf32> to vector<16xf32>
      %swap3A_298 = vector.shape_cast %select_n3A_275 : vector<16xf32> to vector<1x16xf32>
      tpu.vector_store %arg5[%swap3A_294, %swap3A_295], %swap3A_298 {strides = array<i32>} : memref<8x4224xf32, #tpu.memory_space<vmem>>, vector<1x16xf32>,
      %mul3A_299 = arith.constant 16 : i32
      %mul3A_300 = arith.muli %scan3A_167, %mul3A_299 : i32
      %add3A_301 = arith.constant 2 : i32
      %add3A_302 = arith.addi %mul3A_300, %add3A_301 : i32
      %add3A_303 = arith.constant 1 : i32
      %add3A_304 = arith.addi %add3A_302, %add3A_303 : i32
      %swap3A_305 = arith.constant 2 : i32
      %swap3A_306 = arith.index_cast %swap3A_305 : i32 to index
      %swap3A_307 = arith.index_cast %add3A_304 : i32 to index
      %swap3A_308 = tpu.vector_load %arg5[%swap3A_306, %swap3A_307] {strides = array<i32>} : memref<8x4224xf32, #tpu.memory_space<vmem>>, vector<1x16xf32>,
      %swap3A_309 = vector.shape_cast %swap3A_308 : vector<1x16xf32> to vector<16xf32>
      %swap3A_310 = vector.shape_cast %select_n3A_275 : vector<16xf32> to vector<1x16xf32>
      tpu.vector_store %arg5[%swap3A_306, %swap3A_307], %swap3A_310 {strides = array<i32>} : memref<8x4224xf32, #tpu.memory_space<vmem>>, vector<1x16xf32>,
      %mul3A_311 = arith.constant 16 : i32
      %mul3A_312 = arith.muli %scan3A_167, %mul3A_311 : i32
      %add3A_313 = arith.constant 3 : i32
      %add3A_314 = arith.addi %mul3A_312, %add3A_313 : i32
      %add3A_315 = arith.constant 1 : i32
      %add3A_316 = arith.addi %add3A_314, %add3A_315 : i32
      %swap3A_317 = arith.constant 3 : i32
      %swap3A_318 = arith.index_cast %swap3A_317 : i32 to index
      %swap3A_319 = arith.index_cast %add3A_316 : i32 to index
      %swap3A_320 = tpu.vector_load %arg5[%swap3A_318, %swap3A_319] {strides = array<i32>} : memref<8x4224xf32, #tpu.memory_space<vmem>>, vector<1x16xf32>,
      %swap3A_321 = vector.shape_cast %swap3A_320 : vector<1x16xf32> to vector<16xf32>
      %swap3A_322 = vector.shape_cast %select_n3A_275 : vector<16xf32> to vector<1x16xf32>
      tpu.vector_store %arg5[%swap3A_318, %swap3A_319], %swap3A_322 {strides = array<i32>} : memref<8x4224xf32, #tpu.memory_space<vmem>>, vector<1x16xf32>,
      %mul3A_323 = arith.constant 16 : i32
      %mul3A_324 = arith.muli %scan3A_167, %mul3A_323 : i32
      %add3A_325 = arith.constant 4 : i32
      %add3A_326 = arith.addi %mul3A_324, %add3A_325 : i32
      %add3A_327 = arith.constant 1 : i32
      %add3A_328 = arith.addi %add3A_326, %add3A_327 : i32
      %swap3A_329 = arith.constant 4 : i32
      %swap3A_330 = arith.index_cast %swap3A_329 : i32 to index
      %swap3A_331 = arith.index_cast %add3A_328 : i32 to index
      %swap3A_332 = tpu.vector_load %arg5[%swap3A_330, %swap3A_331] {strides = array<i32>} : memref<8x4224xf32, #tpu.memory_space<vmem>>, vector<1x16xf32>,
      %swap3A_333 = vector.shape_cast %swap3A_332 : vector<1x16xf32> to vector<16xf32>
      %swap3A_334 = vector.shape_cast %select_n3A_275 : vector<16xf32> to vector<1x16xf32>
      tpu.vector_store %arg5[%swap3A_330, %swap3A_331], %swap3A_334 {strides = array<i32>} : memref<8x4224xf32, #tpu.memory_space<vmem>>, vector<1x16xf32>,
      %mul3A_335 = arith.constant 16 : i32
      %mul3A_336 = arith.muli %scan3A_167, %mul3A_335 : i32
      %add3A_337 = arith.constant 5 : i32
      %add3A_338 = arith.addi %mul3A_336, %add3A_337 : i32
      %add3A_339 = arith.constant 1 : i32
      %add3A_340 = arith.addi %add3A_338, %add3A_339 : i32
      %swap3A_341 = arith.constant 5 : i32
      %swap3A_342 = arith.index_cast %swap3A_341 : i32 to index
      %swap3A_343 = arith.index_cast %add3A_340 : i32 to index
      %swap3A_344 = tpu.vector_load %arg5[%swap3A_342, %swap3A_343] {strides = array<i32>} : memref<8x4224xf32, #tpu.memory_space<vmem>>, vector<1x16xf32>,
      %swap3A_345 = vector.shape_cast %swap3A_344 : vector<1x16xf32> to vector<16xf32>
      %swap3A_346 = vector.shape_cast %select_n3A_275 : vector<16xf32> to vector<1x16xf32>
      tpu.vector_store %arg5[%swap3A_342, %swap3A_343], %swap3A_346 {strides = array<i32>} : memref<8x4224xf32, #tpu.memory_space<vmem>>, vector<1x16xf32>,
      %mul3A_347 = arith.constant 16 : i32
      %mul3A_348 = arith.muli %scan3A_167, %mul3A_347 : i32
      %add3A_349 = arith.constant 6 : i32
      %add3A_350 = arith.addi %mul3A_348, %add3A_349 : i32
      %add3A_351 = arith.constant 1 : i32
      %add3A_352 = arith.addi %add3A_350, %add3A_351 : i32
      %swap3A_353 = arith.constant 6 : i32
      %swap3A_354 = arith.index_cast %swap3A_353 : i32 to index
      %swap3A_355 = arith.index_cast %add3A_352 : i32 to index
      %swap3A_356 = tpu.vector_load %arg5[%swap3A_354, %swap3A_355] {strides = array<i32>} : memref<8x4224xf32, #tpu.memory_space<vmem>>, vector<1x16xf32>,
      %swap3A_357 = vector.shape_cast %swap3A_356 : vector<1x16xf32> to vector<16xf32>
      %swap3A_358 = vector.shape_cast %select_n3A_275 : vector<16xf32> to vector<1x16xf32>
      tpu.vector_store %arg5[%swap3A_354, %swap3A_355], %swap3A_358 {strides = array<i32>} : memref<8x4224xf32, #tpu.memory_space<vmem>>, vector<1x16xf32>,
      %mul3A_359 = arith.constant 16 : i32
      %mul3A_360 = arith.muli %scan3A_167, %mul3A_359 : i32
      %add3A_361 = arith.constant 7 : i32
      %add3A_362 = arith.addi %mul3A_360, %add3A_361 : i32
      %add3A_363 = arith.constant 1 : i32
      %add3A_364 = arith.addi %add3A_362, %add3A_363 : i32
      %swap3A_365 = arith.constant 7 : i32
      %swap3A_366 = arith.index_cast %swap3A_365 : i32 to index
      %swap3A_367 = arith.index_cast %add3A_364 : i32 to index
      %swap3A_368 = tpu.vector_load %arg5[%swap3A_366, %swap3A_367] {strides = array<i32>} : memref<8x4224xf32, #tpu.memory_space<vmem>>, vector<1x16xf32>,
      %swap3A_369 = vector.shape_cast %swap3A_368 : vector<1x16xf32> to vector<16xf32>
      %swap3A_370 = vector.shape_cast %select_n3A_275 : vector<16xf32> to vector<1x16xf32>
      tpu.vector_store %arg5[%swap3A_366, %swap3A_367], %swap3A_370 {strides = array<i32>} : memref<8x4224xf32, #tpu.memory_space<vmem>>, vector<1x16xf32>,
    }
    %scan3A_42 = arith.constant 262 : i32
    %add3A_43 = arith.constant 0 : i32
    %add3A_44 = arith.addi %mul3A_32, %add3A_43 : i32
    %sub3A_45 = arith.constant 2048 : i32
    %sub3A_46 = arith.subi %sub3A_45, %add3A_44 : i32
    %dma_start3A = arith.constant 0 : i32
    %dma_start3A_47 = arith.constant 0 : i32
    %dma_start3A_48 = tpu.memref_slice %arg5[%dma_start3A_47, %sub3A_46] : memref<8x4224xf32, #tpu.memory_space<vmem>> -> memref<8x2048xf32, #tpu.memory_space<vmem>>
    %dma_start3A_49 = arith.constant 0 : i32
    %dma_start3A_50 = tpu.memref_slice %arg3[%dma_start3A, %select_n3A, %add3A_44, %dma_start3A_49] : memref<1x16x2048x2048xf32, #tpu.memory_space<hbm>> -> memref<1x1x8x2048xf32, #tpu.memory_space<hbm>>
    %dma_start3A_51 = tpu.memref_squeeze %dma_start3A_50 : memref<1x1x8x2048xf32, #tpu.memory_space<hbm>> -> memref<8x2048xf32, #tpu.memory_space<hbm>>
    %dma_start3A_52 = arith.constant 0 : i32
    %dma_start3A_53 = tpu.memref_slice %arg3[%dma_start3A, %select_n3A, %add3A_44, %dma_start3A_52] : memref<1x16x2048x2048xf32, #tpu.memory_space<hbm>> -> memref<1x1x8x2048xf32, #tpu.memory_space<hbm>>
    %dma_start3A_54 = tpu.memref_squeeze %dma_start3A_53 : memref<1x1x8x2048xf32, #tpu.memory_space<hbm>> -> memref<8x2048xf32, #tpu.memory_space<hbm>>
    %dma_start3A_55 = arith.constant 0 : i32
    %dma_start3A_56 = tpu.memref_slice %arg5[%dma_start3A_55, %sub3A_46] : memref<8x4224xf32, #tpu.memory_space<vmem>> -> memref<8x2048xf32, #tpu.memory_space<vmem>>
    tpu.enqueue_dma source(%dma_start3A_56 : memref<8x2048xf32, #tpu.memory_space<vmem>>) target(%dma_start3A_54 : memref<8x2048xf32, #tpu.memory_space<hbm>>) target_semaphore(%arg6 : memref<!tpu.dma_semaphore, #tpu.memory_space<semaphore_mem>>)
    %add3A_57 = arith.constant 8 : i32
    %add3A_58 = arith.addi %mul3A_32, %add3A_57 : i32
    %sub3A_59 = arith.constant 2048 : i32
    %sub3A_60 = arith.subi %sub3A_59, %add3A_58 : i32
    %dma_start3A_61 = arith.constant 0 : i32
    %dma_start3A_62 = arith.constant 0 : i32
    %dma_start3A_63 = tpu.memref_slice %arg5[%dma_start3A_62, %sub3A_60] : memref<8x4224xf32, #tpu.memory_space<vmem>> -> memref<8x2048xf32, #tpu.memory_space<vmem>>
    %dma_start3A_64 = arith.constant 0 : i32
    %dma_start3A_65 = tpu.memref_slice %arg3[%dma_start3A_61, %select_n3A, %add3A_58, %dma_start3A_64] : memref<1x16x2048x2048xf32, #tpu.memory_space<hbm>> -> memref<1x1x8x2048xf32, #tpu.memory_space<hbm>>
    %dma_start3A_66 = tpu.memref_squeeze %dma_start3A_65 : memref<1x1x8x2048xf32, #tpu.memory_space<hbm>> -> memref<8x2048xf32, #tpu.memory_space<hbm>>
    %dma_start3A_67 = arith.constant 0 : i32
    %dma_start3A_68 = tpu.memref_slice %arg3[%dma_start3A_61, %select_n3A, %add3A_58, %dma_start3A_67] : memref<1x16x2048x2048xf32, #tpu.memory_space<hbm>> -> memref<1x1x8x2048xf32, #tpu.memory_space<hbm>>
    %dma_start3A_69 = tpu.memref_squeeze %dma_start3A_68 : memref<1x1x8x2048xf32, #tpu.memory_space<hbm>> -> memref<8x2048xf32, #tpu.memory_space<hbm>>
    %dma_start3A_70 = arith.constant 0 : i32
    %dma_start3A_71 = tpu.memref_slice %arg5[%dma_start3A_70, %sub3A_60] : memref<8x4224xf32, #tpu.memory_space<vmem>> -> memref<8x2048xf32, #tpu.memory_space<vmem>>
    tpu.enqueue_dma source(%dma_start3A_71 : memref<8x2048xf32, #tpu.memory_space<vmem>>) target(%dma_start3A_69 : memref<8x2048xf32, #tpu.memory_space<hbm>>) target_semaphore(%arg6 : memref<!tpu.dma_semaphore, #tpu.memory_space<semaphore_mem>>)
    %add3A_72 = arith.constant 16 : i32
    %add3A_73 = arith.addi %mul3A_32, %add3A_72 : i32
    %sub3A_74 = arith.constant 2048 : i32
    %sub3A_75 = arith.subi %sub3A_74, %add3A_73 : i32
    %dma_start3A_76 = arith.constant 0 : i32
    %dma_start3A_77 = arith.constant 0 : i32
    %dma_start3A_78 = tpu.memref_slice %arg5[%dma_start3A_77, %sub3A_75] : memref<8x4224xf32, #tpu.memory_space<vmem>> -> memref<8x2048xf32, #tpu.memory_space<vmem>>
    %dma_start3A_79 = arith.constant 0 : i32
    %dma_start3A_80 = tpu.memref_slice %arg3[%dma_start3A_76, %select_n3A, %add3A_73, %dma_start3A_79] : memref<1x16x2048x2048xf32, #tpu.memory_space<hbm>> -> memref<1x1x8x2048xf32, #tpu.memory_space<hbm>>
    %dma_start3A_81 = tpu.memref_squeeze %dma_start3A_80 : memref<1x1x8x2048xf32, #tpu.memory_space<hbm>> -> memref<8x2048xf32, #tpu.memory_space<hbm>>
    %dma_start3A_82 = arith.constant 0 : i32
    %dma_start3A_83 = tpu.memref_slice %arg3[%dma_start3A_76, %select_n3A, %add3A_73, %dma_start3A_82] : memref<1x16x2048x2048xf32, #tpu.memory_space<hbm>> -> memref<1x1x8x2048xf32, #tpu.memory_space<hbm>>
    %dma_start3A_84 = tpu.memref_squeeze %dma_start3A_83 : memref<1x1x8x2048xf32, #tpu.memory_space<hbm>> -> memref<8x2048xf32, #tpu.memory_space<hbm>>
    %dma_start3A_85 = arith.constant 0 : i32
    %dma_start3A_86 = tpu.memref_slice %arg5[%dma_start3A_85, %sub3A_75] : memref<8x4224xf32, #tpu.memory_space<vmem>> -> memref<8x2048xf32, #tpu.memory_space<vmem>>
    tpu.enqueue_dma source(%dma_start3A_86 : memref<8x2048xf32, #tpu.memory_space<vmem>>) target(%dma_start3A_84 : memref<8x2048xf32, #tpu.memory_space<hbm>>) target_semaphore(%arg6 : memref<!tpu.dma_semaphore, #tpu.memory_space<semaphore_mem>>)
    %add3A_87 = arith.constant 24 : i32
    %add3A_88 = arith.addi %mul3A_32, %add3A_87 : i32
    %sub3A_89 = arith.constant 2048 : i32
    %sub3A_90 = arith.subi %sub3A_89, %add3A_88 : i32
    %dma_start3A_91 = arith.constant 0 : i32
    %dma_start3A_92 = arith.constant 0 : i32
    %dma_start3A_93 = tpu.memref_slice %arg5[%dma_start3A_92, %sub3A_90] : memref<8x4224xf32, #tpu.memory_space<vmem>> -> memref<8x2048xf32, #tpu.memory_space<vmem>>
    %dma_start3A_94 = arith.constant 0 : i32
    %dma_start3A_95 = tpu.memref_slice %arg3[%dma_start3A_91, %select_n3A, %add3A_88, %dma_start3A_94] : memref<1x16x2048x2048xf32, #tpu.memory_space<hbm>> -> memref<1x1x8x2048xf32, #tpu.memory_space<hbm>>
    %dma_start3A_96 = tpu.memref_squeeze %dma_start3A_95 : memref<1x1x8x2048xf32, #tpu.memory_space<hbm>> -> memref<8x2048xf32, #tpu.memory_space<hbm>>
    %dma_start3A_97 = arith.constant 0 : i32
    %dma_start3A_98 = tpu.memref_slice %arg3[%dma_start3A_91, %select_n3A, %add3A_88, %dma_start3A_97] : memref<1x16x2048x2048xf32, #tpu.memory_space<hbm>> -> memref<1x1x8x2048xf32, #tpu.memory_space<hbm>>
    %dma_start3A_99 = tpu.memref_squeeze %dma_start3A_98 : memref<1x1x8x2048xf32, #tpu.memory_space<hbm>> -> memref<8x2048xf32, #tpu.memory_space<hbm>>
    %dma_start3A_100 = arith.constant 0 : i32
    %dma_start3A_101 = tpu.memref_slice %arg5[%dma_start3A_100, %sub3A_90] : memref<8x4224xf32, #tpu.memory_space<vmem>> -> memref<8x2048xf32, #tpu.memory_space<vmem>>
    tpu.enqueue_dma source(%dma_start3A_101 : memref<8x2048xf32, #tpu.memory_space<vmem>>) target(%dma_start3A_99 : memref<8x2048xf32, #tpu.memory_space<hbm>>) target_semaphore(%arg6 : memref<!tpu.dma_semaphore, #tpu.memory_space<semaphore_mem>>)
    %scan3A_102 = arith.constant 0 : i32
    %scan3A_103 = arith.constant 0 : i32
    %scan3A_104 = arith.constant 124 : i32
    %scan3A_105 = arith.addi %scan3A_103, %scan3A_104 : i32
    %scan3A_106 = arith.constant 1 : i32
    scf.for %scan3A_167 = %scan3A_103 to %scan3A_105 step %scan3A_106  : i32 {
      %add3A_168 = arith.constant 4 : i32
      %add3A_169 = arith.addi %scan3A_167, %add3A_168 : i32
      %mul3A_170 = arith.constant 8 : i32
      %mul3A_171 = arith.muli %add3A_169, %mul3A_170 : i32
      %add3A_172 = arith.addi %mul3A_32, %mul3A_171 : i32
      %sub3A_173 = arith.constant 2048 : i32
      %sub3A_174 = arith.subi %sub3A_173, %add3A_172 : i32
      %dma_start3A_175 = arith.constant 0 : i32
      %dma_start3A_176 = arith.constant 0 : i32
      %dma_start3A_177 = tpu.memref_slice %arg5[%dma_start3A_176, %sub3A_174] : memref<8x4224xf32, #tpu.memory_space<vmem>> -> memref<8x2048xf32, #tpu.memory_space<vmem>>
      %dma_start3A_178 = arith.constant 0 : i32
      %dma_start3A_179 = tpu.memref_slice %arg3[%dma_start3A_175, %select_n3A, %add3A_172, %dma_start3A_178] : memref<1x16x2048x2048xf32, #tpu.memory_space<hbm>> -> memref<1x1x8x2048xf32, #tpu.memory_space<hbm>>
      %dma_start3A_180 = tpu.memref_squeeze %dma_start3A_179 : memref<1x1x8x2048xf32, #tpu.memory_space<hbm>> -> memref<8x2048xf32, #tpu.memory_space<hbm>>
      %dma_start3A_181 = arith.constant 0 : i32
      %dma_start3A_182 = tpu.memref_slice %arg3[%dma_start3A_175, %select_n3A, %add3A_172, %dma_start3A_181] : memref<1x16x2048x2048xf32, #tpu.memory_space<hbm>> -> memref<1x1x8x2048xf32, #tpu.memory_space<hbm>>
      %dma_start3A_183 = tpu.memref_squeeze %dma_start3A_182 : memref<1x1x8x2048xf32, #tpu.memory_space<hbm>> -> memref<8x2048xf32, #tpu.memory_space<hbm>>
      %dma_start3A_184 = arith.constant 0 : i32
      %dma_start3A_185 = tpu.memref_slice %arg5[%dma_start3A_184, %sub3A_174] : memref<8x4224xf32, #tpu.memory_space<vmem>> -> memref<8x2048xf32, #tpu.memory_space<vmem>>
      tpu.enqueue_dma source(%dma_start3A_185 : memref<8x2048xf32, #tpu.memory_space<vmem>>) target(%dma_start3A_183 : memref<8x2048xf32, #tpu.memory_space<hbm>>) target_semaphore(%arg6 : memref<!tpu.dma_semaphore, #tpu.memory_space<semaphore_mem>>)
      %mul3A_186 = arith.constant 8 : i32
      %mul3A_187 = arith.muli %scan3A_167, %mul3A_186 : i32
      %add3A_188 = arith.addi %mul3A_32, %mul3A_187 : i32
      %sub3A_189 = arith.constant 2048 : i32
      %sub3A_190 = arith.subi %sub3A_189, %add3A_188 : i32
      %dma_wait3A_191 = arith.constant 0 : i32
      %dma_wait3A_192 = arith.constant 0 : i32
      %dma_wait3A_193 = tpu.memref_slice %arg5[%dma_wait3A_192, %sub3A_190] : memref<8x4224xf32, #tpu.memory_space<vmem>> -> memref<8x2048xf32, #tpu.memory_space<vmem>>
      %dma_wait3A_194 = arith.constant 0 : i32
      %dma_wait3A_195 = tpu.memref_slice %arg3[%dma_wait3A_191, %select_n3A, %add3A_188, %dma_wait3A_194] : memref<1x16x2048x2048xf32, #tpu.memory_space<hbm>> -> memref<1x1x8x2048xf32, #tpu.memory_space<hbm>>
      %dma_wait3A_196 = tpu.memref_squeeze %dma_wait3A_195 : memref<1x1x8x2048xf32, #tpu.memory_space<hbm>> -> memref<8x2048xf32, #tpu.memory_space<hbm>>
      %dma_wait3A_197 = arith.constant 0 : i32
      %dma_wait3A_198 = tpu.memref_slice %arg3[%dma_wait3A_191, %select_n3A, %add3A_188, %dma_wait3A_197] : memref<1x16x2048x2048xf32, #tpu.memory_space<hbm>> -> memref<1x1x8x2048xf32, #tpu.memory_space<hbm>>
      %dma_wait3A_199 = tpu.memref_squeeze %dma_wait3A_198 : memref<1x1x8x2048xf32, #tpu.memory_space<hbm>> -> memref<8x2048xf32, #tpu.memory_space<hbm>>
      %dma_wait3A_200 = arith.constant 0 : i32
      %dma_wait3A_201 = tpu.memref_slice %arg5[%dma_wait3A_200, %sub3A_190] : memref<8x4224xf32, #tpu.memory_space<vmem>> -> memref<8x2048xf32, #tpu.memory_space<vmem>>
      tpu.wait_dma2 semaphore(%arg6 : memref<!tpu.dma_semaphore, #tpu.memory_space<semaphore_mem>>) src(%dma_wait3A_201 : memref<8x2048xf32, #tpu.memory_space<vmem>>) dst(%dma_wait3A_199 : memref<8x2048xf32, #tpu.memory_space<hbm>>)
    }
    %scan3A_107 = arith.constant 124 : i32
    %add3A_108 = arith.constant 992 : i32
    %add3A_109 = arith.addi %mul3A_32, %add3A_108 : i32
    %sub3A_110 = arith.constant 2048 : i32
    %sub3A_111 = arith.subi %sub3A_110, %add3A_109 : i32
    %dma_wait3A = arith.constant 0 : i32
    %dma_wait3A_112 = arith.constant 0 : i32
    %dma_wait3A_113 = tpu.memref_slice %arg5[%dma_wait3A_112, %sub3A_111] : memref<8x4224xf32, #tpu.memory_space<vmem>> -> memref<8x2048xf32, #tpu.memory_space<vmem>>
    %dma_wait3A_114 = arith.constant 0 : i32
    %dma_wait3A_115 = tpu.memref_slice %arg3[%dma_wait3A, %select_n3A, %add3A_109, %dma_wait3A_114] : memref<1x16x2048x2048xf32, #tpu.memory_space<hbm>> -> memref<1x1x8x2048xf32, #tpu.memory_space<hbm>>
    %dma_wait3A_116 = tpu.memref_squeeze %dma_wait3A_115 : memref<1x1x8x2048xf32, #tpu.memory_space<hbm>> -> memref<8x2048xf32, #tpu.memory_space<hbm>>
    %dma_wait3A_117 = arith.constant 0 : i32
    %dma_wait3A_118 = tpu.memref_slice %arg3[%dma_wait3A, %select_n3A, %add3A_109, %dma_wait3A_117] : memref<1x16x2048x2048xf32, #tpu.memory_space<hbm>> -> memref<1x1x8x2048xf32, #tpu.memory_space<hbm>>
    %dma_wait3A_119 = tpu.memref_squeeze %dma_wait3A_118 : memref<1x1x8x2048xf32, #tpu.memory_space<hbm>> -> memref<8x2048xf32, #tpu.memory_space<hbm>>
    %dma_wait3A_120 = arith.constant 0 : i32
    %dma_wait3A_121 = tpu.memref_slice %arg5[%dma_wait3A_120, %sub3A_111] : memref<8x4224xf32, #tpu.memory_space<vmem>> -> memref<8x2048xf32, #tpu.memory_space<vmem>>
    tpu.wait_dma2 semaphore(%arg6 : memref<!tpu.dma_semaphore, #tpu.memory_space<semaphore_mem>>) src(%dma_wait3A_121 : memref<8x2048xf32, #tpu.memory_space<vmem>>) dst(%dma_wait3A_119 : memref<8x2048xf32, #tpu.memory_space<hbm>>)
    %add3A_122 = arith.constant 1000 : i32
    %add3A_123 = arith.addi %mul3A_32, %add3A_122 : i32
    %sub3A_124 = arith.constant 2048 : i32
    %sub3A_125 = arith.subi %sub3A_124, %add3A_123 : i32
    %dma_wait3A_126 = arith.constant 0 : i32
    %dma_wait3A_127 = arith.constant 0 : i32
    %dma_wait3A_128 = tpu.memref_slice %arg5[%dma_wait3A_127, %sub3A_125] : memref<8x4224xf32, #tpu.memory_space<vmem>> -> memref<8x2048xf32, #tpu.memory_space<vmem>>
    %dma_wait3A_129 = arith.constant 0 : i32
    %dma_wait3A_130 = tpu.memref_slice %arg3[%dma_wait3A_126, %select_n3A, %add3A_123, %dma_wait3A_129] : memref<1x16x2048x2048xf32, #tpu.memory_space<hbm>> -> memref<1x1x8x2048xf32, #tpu.memory_space<hbm>>
    %dma_wait3A_131 = tpu.memref_squeeze %dma_wait3A_130 : memref<1x1x8x2048xf32, #tpu.memory_space<hbm>> -> memref<8x2048xf32, #tpu.memory_space<hbm>>
    %dma_wait3A_132 = arith.constant 0 : i32
    %dma_wait3A_133 = tpu.memref_slice %arg3[%dma_wait3A_126, %select_n3A, %add3A_123, %dma_wait3A_132] : memref<1x16x2048x2048xf32, #tpu.memory_space<hbm>> -> memref<1x1x8x2048xf32, #tpu.memory_space<hbm>>
    %dma_wait3A_134 = tpu.memref_squeeze %dma_wait3A_133 : memref<1x1x8x2048xf32, #tpu.memory_space<hbm>> -> memref<8x2048xf32, #tpu.memory_space<hbm>>
    %dma_wait3A_135 = arith.constant 0 : i32
    %dma_wait3A_136 = tpu.memref_slice %arg5[%dma_wait3A_135, %sub3A_125] : memref<8x4224xf32, #tpu.memory_space<vmem>> -> memref<8x2048xf32, #tpu.memory_space<vmem>>
    tpu.wait_dma2 semaphore(%arg6 : memref<!tpu.dma_semaphore, #tpu.memory_space<semaphore_mem>>) src(%dma_wait3A_136 : memref<8x2048xf32, #tpu.memory_space<vmem>>) dst(%dma_wait3A_134 : memref<8x2048xf32, #tpu.memory_space<hbm>>)
    %add3A_137 = arith.constant 1008 : i32
    %add3A_138 = arith.addi %mul3A_32, %add3A_137 : i32
    %sub3A_139 = arith.constant 2048 : i32
    %sub3A_140 = arith.subi %sub3A_139, %add3A_138 : i32
    %dma_wait3A_141 = arith.constant 0 : i32
    %dma_wait3A_142 = arith.constant 0 : i32
    %dma_wait3A_143 = tpu.memref_slice %arg5[%dma_wait3A_142, %sub3A_140] : memref<8x4224xf32, #tpu.memory_space<vmem>> -> memref<8x2048xf32, #tpu.memory_space<vmem>>
    %dma_wait3A_144 = arith.constant 0 : i32
    %dma_wait3A_145 = tpu.memref_slice %arg3[%dma_wait3A_141, %select_n3A, %add3A_138, %dma_wait3A_144] : memref<1x16x2048x2048xf32, #tpu.memory_space<hbm>> -> memref<1x1x8x2048xf32, #tpu.memory_space<hbm>>
    %dma_wait3A_146 = tpu.memref_squeeze %dma_wait3A_145 : memref<1x1x8x2048xf32, #tpu.memory_space<hbm>> -> memref<8x2048xf32, #tpu.memory_space<hbm>>
    %dma_wait3A_147 = arith.constant 0 : i32
    %dma_wait3A_148 = tpu.memref_slice %arg3[%dma_wait3A_141, %select_n3A, %add3A_138, %dma_wait3A_147] : memref<1x16x2048x2048xf32, #tpu.memory_space<hbm>> -> memref<1x1x8x2048xf32, #tpu.memory_space<hbm>>
    %dma_wait3A_149 = tpu.memref_squeeze %dma_wait3A_148 : memref<1x1x8x2048xf32, #tpu.memory_space<hbm>> -> memref<8x2048xf32, #tpu.memory_space<hbm>>
    %dma_wait3A_150 = arith.constant 0 : i32
    %dma_wait3A_151 = tpu.memref_slice %arg5[%dma_wait3A_150, %sub3A_140] : memref<8x4224xf32, #tpu.memory_space<vmem>> -> memref<8x2048xf32, #tpu.memory_space<vmem>>
    tpu.wait_dma2 semaphore(%arg6 : memref<!tpu.dma_semaphore, #tpu.memory_space<semaphore_mem>>) src(%dma_wait3A_151 : memref<8x2048xf32, #tpu.memory_space<vmem>>) dst(%dma_wait3A_149 : memref<8x2048xf32, #tpu.memory_space<hbm>>)
    %add3A_152 = arith.constant 1016 : i32
    %add3A_153 = arith.addi %mul3A_32, %add3A_152 : i32
    %sub3A_154 = arith.constant 2048 : i32
    %sub3A_155 = arith.subi %sub3A_154, %add3A_153 : i32
    %dma_wait3A_156 = arith.constant 0 : i32
    %dma_wait3A_157 = arith.constant 0 : i32
    %dma_wait3A_158 = tpu.memref_slice %arg5[%dma_wait3A_157, %sub3A_155] : memref<8x4224xf32, #tpu.memory_space<vmem>> -> memref<8x2048xf32, #tpu.memory_space<vmem>>
    %dma_wait3A_159 = arith.constant 0 : i32
    %dma_wait3A_160 = tpu.memref_slice %arg3[%dma_wait3A_156, %select_n3A, %add3A_153, %dma_wait3A_159] : memref<1x16x2048x2048xf32, #tpu.memory_space<hbm>> -> memref<1x1x8x2048xf32, #tpu.memory_space<hbm>>
    %dma_wait3A_161 = tpu.memref_squeeze %dma_wait3A_160 : memref<1x1x8x2048xf32, #tpu.memory_space<hbm>> -> memref<8x2048xf32, #tpu.memory_space<hbm>>
    %dma_wait3A_162 = arith.constant 0 : i32
    %dma_wait3A_163 = tpu.memref_slice %arg3[%dma_wait3A_156, %select_n3A, %add3A_153, %dma_wait3A_162] : memref<1x16x2048x2048xf32, #tpu.memory_space<hbm>> -> memref<1x1x8x2048xf32, #tpu.memory_space<hbm>>
    %dma_wait3A_164 = tpu.memref_squeeze %dma_wait3A_163 : memref<1x1x8x2048xf32, #tpu.memory_space<hbm>> -> memref<8x2048xf32, #tpu.memory_space<hbm>>
    %dma_wait3A_165 = arith.constant 0 : i32
    %dma_wait3A_166 = tpu.memref_slice %arg5[%dma_wait3A_165, %sub3A_155] : memref<8x4224xf32, #tpu.memory_space<vmem>> -> memref<8x2048xf32, #tpu.memory_space<vmem>>
    tpu.wait_dma2 semaphore(%arg6 : memref<!tpu.dma_semaphore, #tpu.memory_space<semaphore_mem>>) src(%dma_wait3A_166 : memref<8x2048xf32, #tpu.memory_space<vmem>>) dst(%dma_wait3A_164 : memref<8x2048xf32, #tpu.memory_space<hbm>>)
    return
  }
}

</mosaic_0001>

<sc_bundles>
// kernel: kernel.3.cloned.1.call-start
scs
__scs_entry_jumppad:
0x0: {  	(pc) =	sbr.rel $0x88, $3  }
0x1: {  	(tag) =	ssettag $0x0;
	lr =	simm.s32 $0x1  }
0x2: {  	[smem:$0x3FA0] =	sst lr;
	_ =	strace $0xD0000000  }
0x3: {  	_ = 	snop  }
0x4: {  	_ = 	snop  }
0x5: {  	_ = 	snop  }
0x6: {  	_ = 	snop  }
0x7: {  	_ = 	snop  }
__scs_overlays_trampoline_lowered:
0x8: {  	[smem:$0x3FAF] =	sst s0  }
0x9: {  	[smem:$0x3FB0] =	sst s1  }
0xa: {  	[smem:$0x3FB1] =	sst s2  }
0xb: {  	[smem:$0x3FB2] =	sst s3  }
0xc: {  	[smem:$0x3FB3] =	sst s4  }
0xd: {  	[smem:$0x3FB4] =	sst s5  }
0xe: {  	[smem:$0x3FB5] =	sst s6  }
0xf: {  	[smem:$0x3FB6] =	sst s7  }
0x10: {  	[smem:$0x3FB7] =	sst s8  }
0x11: {  	[smem:$0x3FB8] =	sst s9;
	s0 =	simm.s32 @!p0 $0x0  }
0x12: {  	s1 =	sld [smem:$0x3F9E];
	s0 =	simm.s32 @p0 $0x1  }
0x13: {  	[smem:$0x3FB9] =	sst s0;
	s0 =	simm.s32 @!p1 $0x0  }
0x14: {  	s2 =	sld [smem:$0x3F9D];
	s0 =	simm.s32 @p1 $0x1  }
0x15: {  	[smem:$0x3FBA] =	sst s0;
	s0 =	simm.s32 @!p2 $0x0  }
0x16: {  	s3 =	sld [smem:$0x3FDB];
	s0 =	simm.s32 @p2 $0x1  }
0x17: {  	s4 =	simm.s32 $0x1BF5;
	[smem:$0x3FBC] =	sst s0  }
0x18: {  	s0 =	sld [smem:$0x3F9F];
	_ =	swait.ge [sflag:s4], $0x0  }
0x19: {  	s7 =	sld [smem:$0x3FA0]  }
0x1a: {  	s8 =	sadd.s32 $0xFFFFE003, lr  }
0x1b: {  	s9 =	sadd.s32 $0xFFFFFEF7, lr;
	s5 =	simm.s32 $0xFFFFFFFF;
	p2 =	slt.u32 s8, $0xFFFFF086  }
0x1c: {  	p1 =	slt.u32 s9, $0xF7A;
	s5 =	simm.s32 @!p2 $0x0  }
0x1d: {  	s5 =	simm.s32 @p1 $0x1;
	p0 =	seq.s32 s7, s2  }
0x1e: {  	s7 =	smul.u32 @!p0 $0xF7A, s2;
	p2 =	seq.s32 @!p0 s5, $0x0  }
0x1f: {  	s9 =	smul.u32 $0xF7A, s1;
	s8 =	simm.s32 @!p0 $0x1BF5;
	p2 =	por !p2, p0  }
0x20: {  	[sflag:s8] =	ssyncset.s32 @!p0 $0xFFFFF086;
	s6 =	sadd.s32 @!p0 s3, s7;
	s7 =	simm.s32 @!p0 $0x108  }
0x21: {  	s3 =	sadd.s32 s3, s9;
	s6 =	sadd.s32 @!p0 $0x88, s6;
	s7 =	simm.s32 @p2 $0x1082  }
0x22: {  	[simem:s7], [sflag:s8] =	dma.local @!p0 [hbm:s6], $0xF7A  }
0x23: {  	s9 =	sor.u32 $0xD0000000, s2;
	s6 =	simm.s32 $0x108;
	_ =	swait.ge @!p0 [sflag:s8], $0x0  }
0x24: {  	s3 =	sadd.s32 $0x88, s3;
	s6 =	simm.s32 @!p1 $0x1082;
	[sflag:s4] =	ssyncset.s32 $0xFFFFF086  }
0x25: {  	[simem:s6], [sflag:s4] =	dma.local [hbm:s3], $0xF7A  }
0x26: {  	[smem:$0x3FA0] =	sst s1;
	(tag) =	ssettag s2;
	_ =	strace s9  }
0x27: {  	s1 =	sld [smem:$0x3FB0]  }
0x28: {  	s2 =	sld [smem:$0x3FB1]  }
0x29: {  	s4 =	sld [smem:$0x3FB3]  }
0x2a: {  	p0 =	seq.s32 s5, $0x0;
	s5 =	sld [smem:$0x3FB4]  }
0x2b: {  	s6 =	sld [smem:$0x3FB5]  }
0x2c: {  	s7 =	sld [smem:$0x3FB6]  }
0x2d: {  	s3 =	simm.s32 $0x108;
	s8 =	sld [smem:$0x3FB7]  }
0x2e: {  	s3 =	simm.s32 @!p0 $0x1082;
	s9 =	sld [smem:$0x3FB8]  }
0x2f: {  	lr =	sadd.s32 s0, s3;
	s0 =	sld [smem:$0x3FAF]  }
0x30: {  	s3 =	sld [smem:$0x3FB2]  }
0x31: {  	[smem:$0x3FBB] =	sst s10  }
0x32: {  	s10 =	sld [smem:$0x3FB9];
	_ =	sdelay $0x3  }
0x33: {  	p0 =	seq.s32 s10, $0x1;
	s10 =	sld [smem:$0x3FBB];
	_ =	sdelay $0x3  }
0x34: {  	[smem:$0x3FBB] =	sst s10  }
0x35: {  	s10 =	sld [smem:$0x3FBA];
	_ =	sdelay $0x3  }
0x36: {  	p1 =	seq.s32 s10, $0x1;
	s10 =	sld [smem:$0x3FBB];
	_ =	sdelay $0x3  }
0x37: {  	[smem:$0x3FBB] =	sst s10  }
0x38: {  	s10 =	sld [smem:$0x3FBC]  }
0x39: {  	_ = 	snop;
	(pc) =	sbr.ind lr, $3  }
0x3a: {  	_ = 	snop  }
0x3b: {  	_ = 	snop  }
0x3c: {  	p2 =	seq.s32 s10, $0x1;
	s10 =	sld [smem:$0x3FBB]  }
0x3d: {  	_ =	shalt  }
0x3e: {  	_ =	shalt  }
0x3f: {  	_ =	shalt  }
0x40: {  	_ =	shalt  }
0x41: {  	_ =	shalt  }
0x42: {  	_ =	shalt  }
0x43: {  	_ =	shalt  }
0x44: {  	_ =	shalt  }
0x45: {  	_ =	shalt  }
0x46: {  	_ =	shalt  }
0x47: {  	_ =	shalt  }
0x48: {  	_ =	shalt  }
0x49: {  	_ =	shalt  }
0x4a: {  	_ =	shalt  }
0x4b: {  	_ =	shalt  }
0x4c: {  	_ =	shalt  }
0x4d: {  	_ =	shalt  }
0x4e: {  	_ =	shalt  }
0x4f: {  	_ =	shalt  }
0x50: {  	_ =	shalt  }
0x51: {  	_ =	shalt  }
0x52: {  	_ =	shalt  }
0x53: {  	_ =	shalt  }
0x54: {  	_ =	shalt  }
0x55: {  	_ =	shalt  }
0x56: {  	_ =	shalt  }
0x57: {  	_ =	shalt  }
0x58: {  	_ =	shalt  }
0x59: {  	_ =	shalt  }
0x5a: {  	_ =	shalt  }
0x5b: {  	_ =	shalt  }
0x5c: {  	_ =	shalt  }
0x5d: {  	_ =	shalt  }
0x5e: {  	_ =	shalt  }
0x5f: {  	_ =	shalt  }
0x60: {  	_ =	shalt  }
0x61: {  	_ =	shalt  }
0x62: {  	_ =	shalt  }
0x63: {  	_ =	shalt  }
0x64: {  	_ =	shalt  }
0x65: {  	_ =	shalt  }
0x66: {  	_ =	shalt  }
0x67: {  	_ =	shalt  }
0x68: {  	_ =	shalt  }
0x69: {  	_ =	shalt  }
0x6a: {  	_ =	shalt  }
0x6b: {  	_ =	shalt  }
0x6c: {  	_ =	shalt  }
0x6d: {  	_ =	shalt  }
0x6e: {  	_ =	shalt  }
0x6f: {  	_ =	shalt  }
0x70: {  	_ =	shalt  }
0x71: {  	_ =	shalt  }
0x72: {  	_ =	shalt  }
0x73: {  	_ =	shalt  }
0x74: {  	_ =	shalt  }
0x75: {  	_ =	shalt  }
0x76: {  	_ =	shalt  }
0x77: {  	_ =	shalt  }
0x78: {  	_ =	shalt  }
0x79: {  	_ =	shalt  }
0x7a: {  	_ =	shalt  }
0x7b: {  	_ =	shalt  }
0x7c: {  	_ =	shalt  }
0x7d: {  	_ =	shalt  }
0x7e: {  	_ =	shalt  }
0x7f: {  	_ =	shalt  }
0x80: {  	_ =	shalt  }
0x81: {  	_ =	shalt  }
0x82: {  	_ =	shalt  }
0x83: {  	_ =	shalt  }
0x84: {  	_ =	shalt  }
0x85: {  	_ =	shalt  }
0x86: {  	_ =	shalt  }
0x87: {  	_ =	shalt  }
.Lfunc_end0:
.L_simem_size_0:
called_computation_lowered:
.L_overlay_start_0:
0x88: {  	s2 =	sld [smem:$0x3FD9]  }
0x89: {  	s3 =	sld [smem:$0x3FFE];
	_ =	sdelay $0x1  }
0x8a: {  	s1 =	srdreg.scid  }
0x8b: {  	s0 =	sand.u32 $0x1, s1  }
0x8c: {  	s17 =	sshll.u32 s0, $0xA;
	s2 =	sadd.s32 s3, s2  }
0x8d: {  	s2 =	sadd.s32 s2, s17  }
0x8e: {  	[smem:$0x3FC7] =	sst s2  }
0x8f: {  	_ = 	snop  }
0x90: {  	s2 =	sld [smem:$0x3FD0];
	(tm) =	ssettm $0x1  }
0x91: {  	s18 =	sld [smem:$0x3FFB];
	_ =	sdelay $0x3  }
0x92: {  	_ =	strace s18  }
0x93: {  	s3 =	sld [smem:$0x3FFC];
	_ =	sdelay $0x3  }
0x94: {  	_ =	strace s3  }
0x95: {  	s3 =	sld [smem:$0x3FFD];
	_ =	sdelay $0x3  }
0x96: {  	_ =	strace s3  }
0x97: {  	_ =	strace $0x8FFFFFFF  }
0x98: {  	s19 =	sld [smem:$0x3FDB];
	_ =	sdelay $0x1  }
0x99: {  	s4 =	simm.s32 $_scs_section_size  }
0x9a: {  	s5 =	simm.s32 $_size__tile_overlayer_lowered;
	s6 =	simm.s32 $_tile_overlayer_lowered  }
0x9b: {  	s22 =	simm.s32 $0x1BFF;
	s21 =	sshll.u32 s6, $0x1;
	s3 =	sadd.s32 s4, s19  }
0x9c: {  	s7 =	simm.s32 $0x0;
	s20 =	sshll.u32 s5, $0x1;
	s5 =	sadd.s32 s21, s3  }
0x9d: {  	[timem:s7], [sflag:s22] =	dma.local [hbm:s5], s20  }
0x9e: {  	_ =	swait.ge [sflag:s22], s20  }
0x9f: {  	s4 =	ssub.s32 $0x0, s20;
	[sflag:s22] =	ssyncset.done $0x0  }
0xa0: {  	[sflag:s22] =	ssyncadd.s32 s4;
	_ =	sdelay $0x1  }
0xa1: {  	s23 =	simm.s32 $0x1B8B  }
0xa2: {  	_ =	swait.ge [sflag:s23], $0x1  }
0xa3: {  	[sflag:s23] =	ssyncset.done $0x0  }
0xa4: {  	s25 =	simm.s32 $0x1B8E;
	s24 =	sld [smem:$0x3FFE];
	[sflag:s23] =	ssyncadd.s32 $0xFFFFFFFF  }
0xa5: {  	s26 =	simm.s32 $execute0_lowered;
	[smem:$0x3FD2] =	sst s25  }
0xa6: {  	s5 =	sshll.u32 s26, $0x1;
	_ =	strace $0x80000046;
	[dreg:$0x1] =	wrdreg $0xFFFFFFFF  }
0xa7: {  	s28 =	simm.s32 $_size_execute0_lowered;
	s3 =	sadd.s32 s3, s5;
	[dreg:$0x0] =	wrdreg $0x0  }
0xa8: {  	s5 =	sshll.u32 s28, $0x1;
	[dreg:$0x2] =	wrdreg s3  }
0xa9: {  	[dreg:$0x3] =	wrdreg s5  }
0xaa: {  	[dreg:$0x4] =	wrdreg $0xC0  }
0xab: {  	_ =	task [dreg:s7], $0x5FFFF  }
0xac: {  	[dreg:$0x1] =	wrdreg $0xFFFFFFFF  }
0xad: {  	[dreg:$0x0] =	wrdreg $0x60  }
0xae: {  	[dreg:$0x2] =	wrdreg s2  }
0xaf: {  	[dreg:$0x3] =	wrdreg s24  }
0xb0: {  	[dreg:$0x4] =	wrdreg $0x9  }
0xb1: {  	_ =	task.clear_ibuf [dreg:s7], $0x5FFFF;
	_ =	strace $0x90000046  }
0xb2: {  	s29 =	simm.s32 $0x9;
	_ =	strace $0x80000048  }
0xb3: {  	_ =	swait.ge [sflag:s29], $0x1  }
0xb4: {  	[sflag:s29] =	ssyncadd.s32 $0xFFFFFFFF  }
0xb5: {  	_ =	strace $0x90000048  }
0xb6: {  	_ =	sfence  }
0xb7: {  	s30 =	sld [smem:$0x0];
	_ =	sdelay $0x2  }
0xb8: {  	s31 =	sshll.u32 s1, $0xD;
	s1 =	sshrl.u32 s1, $0x2  }
0xb9: {  	s3 =	sand.u32 $0x4000, s31;
	s1 =	sadd.s32 s1, s30  }
0xba: {  	s0 =	sor.u32 s3, s0;
	s1 =	sshll.u32 s1, $0x11  }
0xbb: {  	s0 =	sor.u32 s1, s0  }
0xbc: {  	s0 =	sadd.s32 $0x8F2B, s0  }
0xbd: {  	[sflag:s0] =	ssyncadd.remote.s32 $0x1  }
0xbe: {  	_ =	sfence.sel $0xFFFF  }
0xbf: {  	[dreg:$0x0] =	wrdreg $0xFFFFFFFF;
	(pc) =	sbr.abs _section_cstart, $3  }
0xc0: {  	[dreg:$0x1] =	wrdreg $0xFFFFFFFF  }
0xc1: {  	_ =	task.clear_ibuf [dreg:s7], $0x2FFFF;
	_ =	strace $0x9FFFFFFF  }
0xc2: {  	(tm) =	ssettm $0x7FFFFFFF  }
0xc3: {  	_ =	shalt  }
tec
execute0_lowered:
.L_overlay_start_1:
0x0: {  	(tag) =	ssettag $0x1  }
0x1: {  	s0 =	srdreg.scid  }
0x2: {  	s6 =	stileid.u32;
	s1 =	rddreg [dreg:$0x0];
	s0 =	sand.u32 $0x1, s0  }
0x3: {  	s3 =	rddreg [dreg:$0x1];
	s4 =	simm.s32 $0x1;
	s2 =	sor.u32 s0, s6  }
0x4: {  	s9 =	sshll.u32 s0, $0xA;
	p0 =	seq.s32 s2, $0x0;
	s2 =	simm.s32 $0x0  }
0x5: {  	s3 =	sadd.s32 $0x400, s3;
	s10 =	ssub.s32 $0x810, s9;
	[smem:$0x7FF] =	sst s2  }
0x6: {  	s11 =	ssub.s32 $0x808, s9;
	_ =	strace $0x80000047;
	[dreg:$0x6] =	wrdreg s10  }
0x7: {  	p1 =	seq.s32 s0, $0x1;
	s13 =	ssub.s32 $0x18A0, s9;
	[dreg:$0x7] =	wrdreg s11  }
0x8: {  	s5 =	ssub.s32 $0x2, s0;
	s14 =	ssub.s32 $0x2920, s9;
	[dreg:$0x9] =	wrdreg s13  }
0x9: {  	s8 =	sshll.u32 s0, $0x15;
	s15 =	ssub.s32 $0x39A0, s9;
	[dreg:$0xa] =	wrdreg s14  }
0xa: {  	s0 =	sshll.u32 s0, $0xC;
	s16 =	ssub.s32 $0x4A20, s9;
	[dreg:$0xb] =	wrdreg s15  }
0xb: {  	s25 =	sshrl.u32 s5, $0x1;
	s17 =	ssub.s32 $0x5AA0, s9;
	[dreg:$0xc] =	wrdreg s16  }
0xc: {  	s18 =	ssub.s32 $0x6B20, s9;
	s19 =	ssub.s32 $0x7BA0, s9;
	[dreg:$0xd] =	wrdreg s17  }
0xd: {  	s20 =	ssub.s32 $0x1898, s9;
	s21 =	ssub.s32 $0x2918, s9;
	[dreg:$0xe] =	wrdreg s18  }
0xe: {  	s22 =	ssub.s32 $0x3998, s9;
	s24 =	ssub.s32 $0x4A18, s9;
	[dreg:$0xf] =	wrdreg s19  }
0xf: {  	s0 =	ssub.s32 $0x0, s0;
	s28 =	ssub.s32 $0x3990, s9;
	[dreg:$0x10] =	wrdreg s20  }
0x10: {  	s29 =	ssub.s32 $0x4A10, s9;
	s30 =	ssub.s32 $0x5A90, s9;
	[dreg:$0x11] =	wrdreg s21  }
0x11: {  	s31 =	ssub.s32 $0x6B10, s9;
	p0 =	por !p0, !p1;
	[dreg:$0x12] =	wrdreg s22  }
0x12: {  	s5 =	ssub.s32 s5, s25;
	s25 =	ssub.s32 $0x5A98, s9;
	[dreg:$0x13] =	wrdreg s24  }
0x13: {  	p0 =	por !p0, !p0;
	s12 =	smax.u32 s5, $0x1;
	[dreg:$0x14] =	wrdreg s25  }
0x14: {  	s10 =	sshra.s32 s0, $0x2;
	s24 =	ssub.s32 $0x7B98, s9;
	s25 =	ssub.s32 $0x1890, s9  }
0x15: {  	s0 =	ssub.s32 $0x1888, s9;
	s5 =	ssub.s32 $0x3988, s9;
	s11 =	simm.s32 $0x1  }
0x16: {  	s15 =	simm.s32 $0x2;
	s16 =	simm.s32 $0x0;
	s4 =	simm.s32 @!p0 $0x0  }
0x17: {  	[dreg:$0x8] =	wrdreg s12;
	s10 =	sor.u32 $0x20, s10;
	s4 =	ssub.s32 s6, s4  }
0x18: {  	s6 =	ssub.s32 $0x4A08, s9;
	s7 =	sshll.u32 s4, $0x16;
	s4 =	sshll.u32 s4, $0x2  }
0x19: {  	s26 =	sor.u32 s8, s7;
	s4 =	sand.u32 $0x1FFFFFFC, s4;
	s8 =	ssub.s32 $0x818, s9  }
0x1a: {  	s7 =	sshrl.u32 s26, $0x3;
	s1 =	sadd.s32 s1, s4;
	[dreg:$0x5] =	wrdreg s8  }
0x1b: {  	s23 =	sor.u32 $0x10000, s26;
	s26 =	ssub.s32 $0x6B18, s9;
	s8 =	ssub.s32 $0x6B08, s9  }
0x1c: {  	[dreg:$0x3] =	wrdreg s1;
	s4 =	sadd.s32 s3, s7;
	s7 =	ssub.s32 $0x820, s9  }
0x1d: {  	s1 =	sshrl.u32 s23, $0x3;
	[dreg:$0x15] =	wrdreg s26;
	s26 =	ssub.s32 $0x2910, s9  }
0x1e: {  	[dreg:$0x4] =	wrdreg s7;
	s22 =	sadd.s32 s1, s3;
	s1 =	ssub.s32 $0x7B90, s9  }
0x1f: {  	v0 =	vlaneseq.u32;
	s3 =	ssub.s32 $0x2908, s9;
	s7 =	ssub.s32 $0x5A88, s9;
	s9 =	ssub.s32 $0x7B88, s9  }
0x20: {  	v1 =	vimm.s32 $0x0;
	v2 =	vimm.s32 $0x8;
	v0 =	vadd.s32 $0xFFFFF801, v0;
	s12 =	sadd.s32 $0x800, s4;
	s13 =	sadd.s32 $0x1000, s4;
	s14 =	sadd.s32 $0x1800, s4  }
.LBB2_1:
0x21: {  	v5 =	vadd.s32 s2, v0  }
0x22: {  	v3 =	vsub.s32 $0x0, v5  }
0x23: {  	s17 =	rddreg [dreg:$0x3];
	v6 =	vmin.u32 v5, v3  }
0x24: {  	[tilespmem:s2], [sflag:$0x2] =	stream.linear.gather [hbm4b:s17+s2], $0x20, $0x38;
	vm0 =	vgt.s32 v6, $0xB;
	vm1 =	vgt.s32 v6, $0xF;
	[tilespmem:$0x8420] =	vst v63  }
0x25: {  	_ =	swait.ge [sflag:s15], $0x20;
	vm2 =	vgt.s32 v6, $0x16;
	v3 =	vsel vm0, $0x9, v2;
	v4 =	vsel vm1, $0x1, v1  }
0x26: {  	[sflag:s15] =	ssyncset.done $0x0;
	vm0 =	vgt.s32 v6, $0x1F;
	v3 =	vadd.s32 v4, v3;
	v4 =	vsel vm2, $0x1, v1  }
0x27: {  	[sflag:s15] =	ssyncadd.s32 $0xFFFFFFE0;
	v7 =	vsel vm0, $0x1, v1;
	vm0 =	vgt.s32 v6, $0x2D;
	v4 =	vadd.s32 v4, v3  }
0x28: {  	v3 =	vld [tilespmem:$0x0];
	v8 =	vsel vm0, $0x1, v1;
	vm0 =	vgt.s32 v6, $0x3F;
	v7 =	vadd.s32 v7, v4  }
0x29: {  	s23 =	simm.s32 $0x10;
	v4 =	vld [tilespmem:$0x10];
	v7 =	vadd.s32 v8, v7;
	v8 =	vsel vm0, $0x1, v1;
	vm0 =	vgt.s32 v6, $0x5A  }
0x2a: {  	v9 =	vadd.s32 s23, v0;
	v7 =	vadd.s32 v8, v7;
	v8 =	vsel vm0, $0x1, v1  }
0x2b: {  	v10 =	vsub.s32 $0x0, v9;
	vm0 =	vlt.s32 v6, $0x8;
	v7 =	vadd.s32 v8, v7  }
0x2c: {  	vm1 =	vlt.s32 v1, v5;
	v8 =	vmin.u32 v9, v10;
	v5 =	vsel vm0, v6, v7  }
0x2d: {  	vm0 =	vgt.s32 v8, $0x16;
	v6 =	vsel vm1, $0x10, v1;
	v7 =	vand.u32 $0xF, v5  }
0x2e: {  	v5 =	vadd.s32 v6, v5;
	v6 =	vperm.xlane v3, v7;
	v7 =	vperm.xlane v4, v7  }
0x2f: {  	vm1 =	vgt.s32 v8, $0xB;
	vm2 =	vgt.s32 v8, $0xF;
	vm3 =	vlt.s32 v5, $0x10  }
0x30: {  	s18 =	simm.s32 $0x0;
	v10 =	vsel vm2, $0x1, v1;
	v5 =	vsel vm1, $0x9, v2;
	v6 =	vsel vm3, v6, v7  }
0x31: {  	v5 =	vadd.s32 v10, v5;
	v7 =	vsel vm0, $0x1, v1;
	vm0 =	vgt.s32 v8, $0x1F;
	[tilespmem:s18+$0x73A8] =	vst v6  }
0x32: {  	v5 =	vadd.s32 v7, v5;
	v7 =	vsel vm0, $0x1, v1;
	vm0 =	vgt.s32 v8, $0x2D;
	[tilespmem:s18+$0x21] =	vst v6  }
0x33: {  	[tilespmem:s18+$0x10A2] =	vst v6;
	v5 =	vadd.s32 v7, v5;
	v7 =	vsel vm0, $0x1, v1;
	vm0 =	vgt.s32 v8, $0x3F  }
0x34: {  	s20 =	simm.s32 $0x20;
	[tilespmem:s18+$0x2123] =	vst v6;
	v5 =	vadd.s32 v7, v5;
	v10 =	vsel vm0, $0x1, v1;
	vm0 =	vgt.s32 v8, $0x5A  }
0x35: {  	[tilespmem:s18+$0x31A4] =	vst v6;
	v7 =	vadd.s32 s20, v0;
	v5 =	vadd.s32 v10, v5;
	v10 =	vsel vm0, $0x1, v1  }
0x36: {  	vm1 =	vlt.s32 v8, $0x8;
	[tilespmem:s18+$0x4225] =	vst v6;
	v11 =	vsub.s32 $0x0, v7;
	v10 =	vadd.s32 v10, v5  }
0x37: {  	s19 =	simm.s32 $0x40;
	s21 =	simm.s32 $0xC0;
	s17 =	simm.s32 $0x80;
	[tilespmem:s18+$0x52A6] =	vst v6;
	vm0 =	vlt.s32 v1, v9;
	v5 =	vmin.u32 v7, v11;
	v8 =	vsel vm1, v8, v10  }
.LBB2_2:
0x38: {  	p0 =	sne.s32 s21, $0x4140;
	vm1 =	vgt.s32 v5, $0x16;
	v9 =	vsel vm0, $0x10, v1;
	v10 =	vand.u32 $0xF, v8;
	[tilespmem:s18+$0x6327] =	vst v6;
	v11 =	vmovc v7  }
0x39: {  	v6 =	vadd.s32 v9, v8;
	v7 =	vperm.xlane v3, v10;
	v8 =	vperm.xlane v4, v10  }
0x3a: {  	vm0 =	vgt.s32 v5, $0xB;
	vm2 =	vgt.s32 v5, $0xF;
	vm3 =	vlt.s32 v6, $0x10  }
0x3b: {  	s18 =	sshra.s32 s19, $0x2;
	s19 =	smov.u32 s17;
	s17 =	smov.u32 s21;
	v9 =	vsel vm0, $0x9, v2;
	v10 =	vsel vm2, $0x1, v1;
	v6 =	vsel vm3, v7, v8  }
0x3c: {  	vm0 =	vgt.s32 v5, $0x1F;
	v7 =	vadd.s32 v10, v9;
	v8 =	vsel vm1, $0x1, v1;
	[tilespmem:s18+$0x73A8] =	vst v6  }
0x3d: {  	v7 =	vadd.s32 v8, v7;
	v8 =	vsel vm0, $0x1, v1;
	vm0 =	vgt.s32 v5, $0x2D;
	[tilespmem:s18+$0x21] =	vst v6  }
.Ltmp0:
0x3e: {  	v7 =	vadd.s32 v8, v7;
	v8 =	vsel vm0, $0x1, v1;
	vm0 =	vgt.s32 v5, $0x3F;
	[tilespmem:s18+$0x10A2] =	vst v6;
	(pc) =	sbr.rel @p0 .LBB2_2-.Ltmp0, $4  }
0x3f: {  	s20 =	sadd.s32 $0x10, s20;
	v8 =	vadd.s32 v8, v7;
	v9 =	vsel vm0, $0x1, v1;
	vm0 =	vgt.s32 v5, $0x5A;
	[tilespmem:s18+$0x2123] =	vst v6  }
0x40: {  	v7 =	vadd.s32 s20, v0;
	v8 =	vadd.s32 v9, v8;
	v9 =	vsel vm0, $0x1, v1;
	[tilespmem:s18+$0x31A4] =	vst v6  }
0x41: {  	vm1 =	vlt.s32 v5, $0x8;
	v10 =	vsub.s32 $0x0, v7;
	v8 =	vadd.s32 v9, v8;
	[tilespmem:s18+$0x4225] =	vst v6  }
0x42: {  	s21 =	sadd.s32 $0x40, s21;
	vm0 =	vlt.s32 v1, v11;
	v8 =	vsel vm1, v5, v8;
	v5 =	vmin.u32 v7, v10;
	[tilespmem:s18+$0x52A6] =	vst v6  }
0x43: {  	v9 =	vsel vm0, $0x10, v1;
	v10 =	vand.u32 $0xF, v8;
	vm1 =	vgt.s32 v5, $0xB  }
0x44: {  	vm2 =	vgt.s32 v5, $0xF;
	vm8 =	vgt.s32 v5, $0x16;
	vm9 =	vgt.s32 v5, $0x1F  }
0x45: {  	vm10 =	vgt.s32 v5, $0x2D;
	vm11 =	vgt.s32 v5, $0x3F;
	v51 =	vadd.s32 v9, v8  }
0x46: {  	v52 =	vperm.xlane v3, v10;
	v53 =	vsel vm1, $0x9, v2;
	v54 =	vsel vm2, $0x1, v1  }
0x47: {  	v10 =	vperm.xlane v4, v10;
	v55 =	vsel vm8, $0x1, v1;
	v9 =	vadd.s32 v54, v53  }
0x48: {  	v56 =	vsel vm9, $0x1, v1;
	vm7 =	vlt.s32 v51, $0x10;
	v9 =	vadd.s32 v55, v9  }
0x49: {  	[tilespmem:s18+$0x6327] =	vst v6;
	s21 =	sshra.s32 s19, $0x2;
	v58 =	vsel vm10, $0x1, v1;
	v8 =	vsel vm7, v52, v10;
	v57 =	vadd.s32 v56, v9  }
0x4a: {  	vm12 =	vgt.s32 v5, $0x5A;
	v59 =	vsel vm11, $0x1, v1;
	[tilespmem:s21+$0x73A8] =	vst v8;
	v6 =	vadd.s32 v58, v57  }
0x4b: {  	v60 =	vsel vm12, $0x1, v1;
	[tilespmem:s21+$0x21] =	vst v8;
	v6 =	vadd.s32 v59, v6  }
0x4c: {  	vm13 =	vlt.s32 v5, $0x8;
	[tilespmem:s21+$0x10A2] =	vst v8;
	v6 =	vadd.s32 v60, v6  }
0x4d: {  	vm14 =	vlt.s32 v1, v7;
	[tilespmem:s21+$0x2123] =	vst v8;
	v5 =	vsel vm13, v5, v6  }
0x4e: {  	v61 =	vsel vm14, $0x10, v1;
	[tilespmem:s21+$0x31A4] =	vst v8;
	v62 =	vand.u32 $0xF, v5  }
0x4f: {  	[tilespmem:s21+$0x4225] =	vst v8;
	v5 =	vadd.s32 v61, v5;
	v3 =	vperm.xlane v3, v62;
	v63 =	vperm.xlane v4, v62  }
0x50: {  	[tilespmem:s21+$0x52A6] =	vst v8;
	vm15 =	vlt.s32 v5, $0x10  }
0x51: {  	s17 =	sshra.s32 s17, $0x2;
	[tilespmem:s21+$0x6327] =	vst v8;
	v3 =	vsel vm15, v3, v63  }
0x52: {  	[tilespmem:s17+$0x73A8] =	vst v3  }
0x53: {  	[tilespmem:s17+$0x21] =	vst v3  }
0x54: {  	[tilespmem:s17+$0x10A2] =	vst v3  }
0x55: {  	[tilespmem:s17+$0x2123] =	vst v3  }
0x56: {  	[tilespmem:s17+$0x31A4] =	vst v3  }
0x57: {  	[tilespmem:s17+$0x4225] =	vst v3  }
0x58: {  	[tilespmem:s17+$0x52A6] =	vst v3  }
0x59: {  	s23 =	rddreg [dreg:$0x4];
	[tilespmem:s17+$0x6327] =	vst v3;
	s17 =	simm.s32 $0x0  }
0x5a: {  	[hbm4b:s4+s17] =	stream.linear.scatter [tilespmem:s23], [sflag:$0x1], $0x800, $0x38;
	[tilespmem:$0x8420] =	vst v63  }
0x5b: {  	s19 =	sadd.s32 $0x100, s4;
	s20 =	rddreg [dreg:$0x9]  }
0x5c: {  	[hbm4b:s19+s17] =	stream.linear.scatter [tilespmem:s20], [sflag:$0x1], $0x800, $0x38;
	[tilespmem:$0x8420] =	vst v63  }
0x5d: {  	s21 =	sadd.s32 $0x200, s4;
	s23 =	rddreg [dreg:$0xa]  }
0x5e: {  	[hbm4b:s21+s17] =	stream.linear.scatter [tilespmem:s23], [sflag:$0x1], $0x800, $0x38;
	[tilespmem:$0x8420] =	vst v63  }
0x5f: {  	s19 =	sadd.s32 $0x300, s4;
	s20 =	rddreg [dreg:$0xb]  }
0x60: {  	[hbm4b:s19+s17] =	stream.linear.scatter [tilespmem:s20], [sflag:$0x1], $0x800, $0x38;
	[tilespmem:$0x8420] =	vst v63  }
0x61: {  	s21 =	sadd.s32 $0x400, s4;
	s23 =	rddreg [dreg:$0xc]  }
0x62: {  	[hbm4b:s21+s17] =	stream.linear.scatter [tilespmem:s23], [sflag:$0x1], $0x800, $0x38;
	[tilespmem:$0x8420] =	vst v63  }
0x63: {  	s19 =	sadd.s32 $0x500, s4;
	s20 =	rddreg [dreg:$0xd]  }
0x64: {  	[hbm4b:s19+s17] =	stream.linear.scatter [tilespmem:s20], [sflag:$0x1], $0x800, $0x38;
	[tilespmem:$0x8420] =	vst v63  }
0x65: {  	s21 =	sadd.s32 $0x600, s4;
	s23 =	rddreg [dreg:$0xe]  }
0x66: {  	[hbm4b:s21+s17] =	stream.linear.scatter [tilespmem:s23], [sflag:$0x1], $0x800, $0x38;
	[tilespmem:$0x8420] =	vst v63  }
0x67: {  	s20 =	sadd.s32 $0x700, s4;
	s21 =	rddreg [dreg:$0xf]  }
0x68: {  	[hbm4b:s20+s17] =	stream.linear.scatter [tilespmem:s21], [sflag:$0x1], $0x800, $0x38;
	[tilespmem:$0x8420] =	vst v63  }
0x69: {  	s23 =	rddreg [dreg:$0x5]  }
0x6a: {  	[hbm4b:s12+s17] =	stream.linear.scatter [tilespmem:s23], [sflag:$0x1], $0x800, $0x38;
	[tilespmem:$0x8420] =	vst v63  }
0x6b: {  	s19 =	sadd.s32 $0x100, s12;
	s20 =	rddreg [dreg:$0x10]  }
0x6c: {  	[hbm4b:s19+s17] =	stream.linear.scatter [tilespmem:s20], [sflag:$0x1], $0x800, $0x38;
	[tilespmem:$0x8420] =	vst v63  }
0x6d: {  	s21 =	sadd.s32 $0x200, s12;
	s23 =	rddreg [dreg:$0x11]  }
0x6e: {  	[hbm4b:s21+s17] =	stream.linear.scatter [tilespmem:s23], [sflag:$0x1], $0x800, $0x38;
	[tilespmem:$0x8420] =	vst v63  }
0x6f: {  	s19 =	sadd.s32 $0x300, s12;
	s20 =	rddreg [dreg:$0x12]  }
0x70: {  	[hbm4b:s19+s17] =	stream.linear.scatter [tilespmem:s20], [sflag:$0x1], $0x800, $0x38;
	[tilespmem:$0x8420] =	vst v63  }
0x71: {  	s21 =	sadd.s32 $0x400, s12;
	s23 =	rddreg [dreg:$0x13]  }
0x72: {  	[hbm4b:s21+s17] =	stream.linear.scatter [tilespmem:s23], [sflag:$0x1], $0x800, $0x38;
	[tilespmem:$0x8420] =	vst v63  }
0x73: {  	s19 =	sadd.s32 $0x500, s12;
	s20 =	rddreg [dreg:$0x14]  }
0x74: {  	[hbm4b:s19+s17] =	stream.linear.scatter [tilespmem:s20], [sflag:$0x1], $0x800, $0x38;
	[tilespmem:$0x8420] =	vst v63  }
0x75: {  	s21 =	sadd.s32 $0x600, s12;
	s23 =	rddreg [dreg:$0x15]  }
0x76: {  	[hbm4b:s21+s17] =	stream.linear.scatter [tilespmem:s23], [sflag:$0x1], $0x800, $0x38;
	[tilespmem:$0x8420] =	vst v63  }
0x77: {  	s19 =	sadd.s32 $0x700, s12  }
0x78: {  	[hbm4b:s19+s17] =	stream.linear.scatter [tilespmem:s24], [sflag:$0x1], $0x800, $0x38;
	[tilespmem:$0x8420] =	vst v63  }
0x79: {  	s20 =	rddreg [dreg:$0x6]  }
0x7a: {  	[hbm4b:s13+s17] =	stream.linear.scatter [tilespmem:s20], [sflag:$0x1], $0x800, $0x38;
	[tilespmem:$0x8420] =	vst v63  }
0x7b: {  	s21 =	sadd.s32 $0x100, s13  }
0x7c: {  	[hbm4b:s21+s17] =	stream.linear.scatter [tilespmem:s25], [sflag:$0x1], $0x800, $0x38;
	[tilespmem:$0x8420] =	vst v63  }
0x7d: {  	s23 =	sadd.s32 $0x200, s13  }
0x7e: {  	[hbm4b:s23+s17] =	stream.linear.scatter [tilespmem:s26], [sflag:$0x1], $0x800, $0x38;
	[tilespmem:$0x8420] =	vst v63  }
0x7f: {  	s19 =	sadd.s32 $0x300, s13  }
0x80: {  	[hbm4b:s19+s17] =	stream.linear.scatter [tilespmem:s28], [sflag:$0x1], $0x800, $0x38;
	[tilespmem:$0x8420] =	vst v63  }
0x81: {  	s20 =	sadd.s32 $0x400, s13  }
0x82: {  	[hbm4b:s20+s17] =	stream.linear.scatter [tilespmem:s29], [sflag:$0x1], $0x800, $0x38;
	[tilespmem:$0x8420] =	vst v63  }
0x83: {  	s21 =	sadd.s32 $0x500, s13  }
0x84: {  	[hbm4b:s21+s17] =	stream.linear.scatter [tilespmem:s30], [sflag:$0x1], $0x800, $0x38;
	[tilespmem:$0x8420] =	vst v63  }
0x85: {  	s23 =	sadd.s32 $0x600, s13  }
0x86: {  	[hbm4b:s23+s17] =	stream.linear.scatter [tilespmem:s31], [sflag:$0x1], $0x800, $0x38;
	[tilespmem:$0x8420] =	vst v63  }
0x87: {  	s19 =	sadd.s32 $0x700, s13  }
0x88: {  	[hbm4b:s19+s17] =	stream.linear.scatter [tilespmem:s1], [sflag:$0x1], $0x800, $0x38;
	[tilespmem:$0x8420] =	vst v63  }
0x89: {  	s20 =	rddreg [dreg:$0x7]  }
0x8a: {  	[hbm4b:s14+s17] =	stream.linear.scatter [tilespmem:s20], [sflag:$0x1], $0x800, $0x38;
	[tilespmem:$0x8420] =	vst v63  }
0x8b: {  	s21 =	sadd.s32 $0x100, s14  }
0x8c: {  	[hbm4b:s21+s17] =	stream.linear.scatter [tilespmem:s0], [sflag:$0x1], $0x800, $0x38;
	[tilespmem:$0x8420] =	vst v63  }
0x8d: {  	s23 =	sadd.s32 $0x200, s14  }
0x8e: {  	[hbm4b:s23+s17] =	stream.linear.scatter [tilespmem:s3], [sflag:$0x1], $0x800, $0x38;
	[tilespmem:$0x8420] =	vst v63  }
0x8f: {  	s19 =	sadd.s32 $0x300, s14  }
0x90: {  	[hbm4b:s19+s17] =	stream.linear.scatter [tilespmem:s5], [sflag:$0x1], $0x800, $0x38;
	[tilespmem:$0x8420] =	vst v63  }
0x91: {  	s20 =	sadd.s32 $0x400, s14  }
0x92: {  	[hbm4b:s20+s17] =	stream.linear.scatter [tilespmem:s6], [sflag:$0x1], $0x800, $0x38;
	[tilespmem:$0x8420] =	vst v63  }
0x93: {  	s21 =	sadd.s32 $0x500, s14  }
0x94: {  	[hbm4b:s21+s17] =	stream.linear.scatter [tilespmem:s7], [sflag:$0x1], $0x800, $0x38;
	[tilespmem:$0x8420] =	vst v63  }
0x95: {  	s23 =	sadd.s32 $0x600, s14  }
0x96: {  	[hbm4b:s23+s17] =	stream.linear.scatter [tilespmem:s8], [sflag:$0x1], $0x800, $0x38;
	[tilespmem:$0x8420] =	vst v63  }
0x97: {  	s19 =	sadd.s32 $0x700, s14  }
0x98: {  	[hbm4b:s19+s17] =	stream.linear.scatter [tilespmem:s9], [sflag:$0x1], $0x800, $0x38;
	[tilespmem:$0x8420] =	vst v63  }
0x99: {  	s17 =	sadd.s32 $0x0, s10  }
0x9a: {  	s20 =	sadd.s32 $0x7E0, s17  }
0x9b: {  	[hbm4b:s22+s2] =	stream.linear.scatter [tilespmem:s20], [sflag:$0x1], $0x800, $0x38;
	[tilespmem:$0x8420] =	vst v63  }
0x9c: {  	s23 =	sadd.s32 $0x100, s22;
	s21 =	sadd.s32 $0x1860, s17  }
0x9d: {  	[hbm4b:s23+s2] =	stream.linear.scatter [tilespmem:s21], [sflag:$0x1], $0x800, $0x38;
	[tilespmem:$0x8420] =	vst v63  }
0x9e: {  	s19 =	sadd.s32 $0x28E0, s17;
	s20 =	sadd.s32 $0x200, s22  }
0x9f: {  	[hbm4b:s20+s2] =	stream.linear.scatter [tilespmem:s19], [sflag:$0x1], $0x800, $0x38;
	[tilespmem:$0x8420] =	vst v63  }
0xa0: {  	s21 =	sadd.s32 $0x3960, s17;
	s23 =	sadd.s32 $0x300, s22  }
0xa1: {  	[hbm4b:s23+s2] =	stream.linear.scatter [tilespmem:s21], [sflag:$0x1], $0x800, $0x38;
	[tilespmem:$0x8420] =	vst v63  }
0xa2: {  	s19 =	sadd.s32 $0x49E0, s17;
	s20 =	sadd.s32 $0x400, s22  }
0xa3: {  	[hbm4b:s20+s2] =	stream.linear.scatter [tilespmem:s19], [sflag:$0x1], $0x800, $0x38;
	[tilespmem:$0x8420] =	vst v63  }
0xa4: {  	s21 =	sadd.s32 $0x5A60, s17;
	s23 =	sadd.s32 $0x500, s22  }
0xa5: {  	[hbm4b:s23+s2] =	stream.linear.scatter [tilespmem:s21], [sflag:$0x1], $0x800, $0x38;
	[tilespmem:$0x8420] =	vst v63  }
0xa6: {  	s20 =	sadd.s32 $0x6AE0, s17;
	s21 =	sadd.s32 $0x600, s22  }
0xa7: {  	[hbm4b:s21+s2] =	stream.linear.scatter [tilespmem:s20], [sflag:$0x1], $0x800, $0x38;
	[tilespmem:$0x8420] =	vst v63  }
0xa8: {  	s17 =	sadd.s32 $0x7B60, s17;
	s23 =	sadd.s32 $0x700, s22  }
0xa9: {  	[hbm4b:s23+s2] =	stream.linear.scatter [tilespmem:s17], [sflag:$0x1], $0x800, $0x38;
	[tilespmem:$0x8420] =	vst v63  }
0xaa: {  	s18 =	simm.s32 $0xFFFFFFC0;
	_ =	swait.ge [sflag:s11], $0x4000  }
0xab: {  	s19 =	simm.s32 $0xFFFFFFF8;
	s17 =	sadd.s32 $0x800, s22;
	[sflag:s11] =	ssyncset.done $0x0  }
.LBB2_4:
0xac: {  	s19 =	sadd.s32 s19, s10  }
0xad: {  	[sflag:s11] =	ssyncadd.s32 $0xFFFFC000;
	s20 =	smov.u32 s18;
	s21 =	sadd.s32 $0xFFFFFFE0, s18  }
0xae: {  	p0 =	sne.s32 s18, $0xFFFFF0A0;
	s18 =	sadd.s32 $0x7E0, s19  }
0xaf: {  	[hbm4b:s17+s2] =	stream.linear.scatter [tilespmem:s18], [sflag:$0x1], $0x800, $0x38;
	[tilespmem:$0x8420] =	vst v63  }
0xb0: {  	s23 =	sadd.s32 $0x100, s17;
	s18 =	sadd.s32 $0x1860, s19  }
0xb1: {  	[hbm4b:s23+s2] =	stream.linear.scatter [tilespmem:s18], [sflag:$0x1], $0x800, $0x38;
	[tilespmem:$0x8420] =	vst v63  }
0xb2: {  	s18 =	sadd.s32 $0x28E0, s19;
	s23 =	sadd.s32 $0x200, s17  }
0xb3: {  	[hbm4b:s23+s2] =	stream.linear.scatter [tilespmem:s18], [sflag:$0x1], $0x800, $0x38;
	[tilespmem:$0x8420] =	vst v63  }
0xb4: {  	s18 =	sadd.s32 $0x3960, s19;
	s23 =	sadd.s32 $0x300, s17  }
0xb5: {  	[hbm4b:s23+s2] =	stream.linear.scatter [tilespmem:s18], [sflag:$0x1], $0x800, $0x38;
	[tilespmem:$0x8420] =	vst v63  }
0xb6: {  	s18 =	sadd.s32 $0x49E0, s19;
	s23 =	sadd.s32 $0x400, s17  }
0xb7: {  	[hbm4b:s23+s2] =	stream.linear.scatter [tilespmem:s18], [sflag:$0x1], $0x800, $0x38;
	[tilespmem:$0x8420] =	vst v63  }
0xb8: {  	s18 =	sadd.s32 $0x5A60, s19;
	s23 =	sadd.s32 $0x500, s17  }
0xb9: {  	[hbm4b:s23+s2] =	stream.linear.scatter [tilespmem:s18], [sflag:$0x1], $0x800, $0x38;
	[tilespmem:$0x8420] =	vst v63  }
0xba: {  	s18 =	sadd.s32 $0x6AE0, s19;
	s23 =	sadd.s32 $0x600, s17  }
0xbb: {  	[hbm4b:s23+s2] =	stream.linear.scatter [tilespmem:s18], [sflag:$0x1], $0x800, $0x38;
	[tilespmem:$0x8420] =	vst v63  }
.Ltmp1:
0xbc: {  	_ = 	snop;
	(pc) =	sbr.rel @p0 .LBB2_4-.Ltmp1, $4  }
0xbd: {  	s18 =	sadd.s32 $0x7B60, s19;
	s19 =	sadd.s32 $0x700, s17  }
0xbe: {  	[hbm4b:s19+s2] =	stream.linear.scatter [tilespmem:s18], [sflag:$0x1], $0x800, $0x38;
	[tilespmem:$0x8420] =	vst v63  }
0xbf: {  	s17 =	sadd.s32 $0x800, s17;
	_ =	swait.ge [sflag:s11], $0x4000  }
0xc0: {  	s19 =	sshra.s32 s20, $0x2;
	s18 =	smov.u32 s21;
	[sflag:s11] =	ssyncset.done $0x0  }
0xc1: {  	s18 =	sadd.s32 s19, s10  }
0xc2: {  	[sflag:s11] =	ssyncadd.s32 $0xFFFFC000;
	s19 =	sadd.s32 $0x7E0, s18  }
0xc3: {  	[hbm4b:s17+s2] =	stream.linear.scatter [tilespmem:s19], [sflag:$0x1], $0x800, $0x38;
	[tilespmem:$0x8420] =	vst v63  }
0xc4: {  	s20 =	sadd.s32 $0x100, s17;
	s23 =	sadd.s32 $0x1860, s18  }
0xc5: {  	[hbm4b:s20+s2] =	stream.linear.scatter [tilespmem:s23], [sflag:$0x1], $0x800, $0x38;
	[tilespmem:$0x8420] =	vst v63  }
0xc6: {  	s21 =	sadd.s32 $0x28E0, s18;
	s23 =	sadd.s32 $0x200, s17  }
0xc7: {  	[hbm4b:s23+s2] =	stream.linear.scatter [tilespmem:s21], [sflag:$0x1], $0x800, $0x38;
	[tilespmem:$0x8420] =	vst v63  }
0xc8: {  	s21 =	sadd.s32 $0x3960, s18;
	s23 =	sadd.s32 $0x300, s17  }
0xc9: {  	[hbm4b:s23+s2] =	stream.linear.scatter [tilespmem:s21], [sflag:$0x1], $0x800, $0x38;
	[tilespmem:$0x8420] =	vst v63  }
0xca: {  	s21 =	sadd.s32 $0x49E0, s18;
	s23 =	sadd.s32 $0x400, s17  }
0xcb: {  	[hbm4b:s23+s2] =	stream.linear.scatter [tilespmem:s21], [sflag:$0x1], $0x800, $0x38;
	[tilespmem:$0x8420] =	vst v63  }
0xcc: {  	s21 =	sadd.s32 $0x5A60, s18;
	s23 =	sadd.s32 $0x500, s17  }
0xcd: {  	[hbm4b:s23+s2] =	stream.linear.scatter [tilespmem:s21], [sflag:$0x1], $0x800, $0x38;
	[tilespmem:$0x8420] =	vst v63  }
0xce: {  	s21 =	sadd.s32 $0x6AE0, s18;
	s23 =	sadd.s32 $0x600, s17  }
0xcf: {  	[hbm4b:s23+s2] =	stream.linear.scatter [tilespmem:s21], [sflag:$0x1], $0x800, $0x38;
	[tilespmem:$0x8420] =	vst v63  }
0xd0: {  	s18 =	sadd.s32 $0x7B60, s18;
	s21 =	sadd.s32 $0x700, s17  }
0xd1: {  	[hbm4b:s21+s2] =	stream.linear.scatter [tilespmem:s18], [sflag:$0x1], $0x800, $0x38;
	[tilespmem:$0x8420] =	vst v63  }
0xd2: {  	_ =	swait.ge [sflag:s11], $0x4000  }
0xd3: {  	[sflag:s11] =	ssyncset.done $0x0  }
0xd4: {  	[sflag:s11] =	ssyncadd.s32 $0xFFFFC000  }
0xd5: {  	_ =	swait.ge [sflag:s11], $0x4000  }
0xd6: {  	[sflag:s11] =	ssyncset.done $0x0  }
0xd7: {  	[sflag:s11] =	ssyncadd.s32 $0xFFFFC000  }
0xd8: {  	_ =	swait.ge [sflag:s11], $0x4000  }
0xd9: {  	[sflag:s11] =	ssyncset.done $0x0  }
0xda: {  	[sflag:s11] =	ssyncadd.s32 $0xFFFFC000  }
0xdb: {  	_ =	swait.ge [sflag:s11], $0x4000  }
0xdc: {  	[sflag:s11] =	ssyncset.done $0x0  }
0xdd: {  	[sflag:s11] =	ssyncadd.s32 $0xFFFFC000  }
0xde: {  	_ =	swait.ge [sflag:s11], $0x4000  }
0xdf: {  	s16 =	sadd.s32 $0x1, s16;
	s23 =	rddreg [dreg:$0x8]  }
0xe0: {  	p0 =	sne.s32 s16, s23  }
.Ltmp2:
0xe1: {  	_ = 	snop;
	(pc) =	sbr.rel @p0 .LBB2_1-.Ltmp2, $3  }
0xe2: {  	_ =	sdelay $0x1  }
0xe3: {  	[sflag:s11] =	ssyncset.done $0x0  }
0xe4: {  	[sflag:s11] =	ssyncadd.s32 $0xFFFFC000  }
0xe5: {  	_ =	sfence.sel $0x180000  }
0xe6: {  	[bflag:$0x0] =	sbarrier.arrive $0xFFFF  }
0xe7: {  	_ =	strace $0x90000047  }
0xe8: {  	s0 =	stileid.u32;
	[bflag:$0x2] =	sbarrier.arrive $0xFFFF  }
0xe9: {  	p0 =	sne.s32 s0, $0x0;
	s0 =	rddreg [dreg:$0x2]  }
0xea: {  	s0 =	sadd.s32 @!p0 $0x100000, s0  }
0xeb: {  	[sflag:s0] =	ssyncadd.tile.s32 @!p0 $0x1;
	_ =	shalt  }
.Lfunc_end2:
_tile_overlayer_lowered:
.L_overlay_start_2:
0xec: {  	(tag) =	ssettag $0x2  }
0xed: {  	s0 =	rddreg [dreg:$0x0];
	s2 =	stileid.u32  }
0xee: {  	s1 =	rddreg [dreg:$0x1];
	p0 =	sne.s32 s2, $0x0  }
0xef: {  	s3 =	rddreg [dreg:$0x2];
	[bflag:$0x3] =	sbarrier.arrive $0xFFFF;
	s2 =	simm.s32 @!p0 $0x1C02  }
0xf0: {  	[timem:s3], [sflag:s2] =	dma.local @!p0 [hbm:s0], s1  }
0xf1: {  	s0 =	simm.s32 @!p0 $0x2  }
0xf2: {  	_ =	swait.ge @!p0 [sflag:s0], s1  }
0xf3: {  	s1 =	ssub.s32 @!p0 $0x0, s1;
	[sflag:s0] =	ssyncset.done @!p0 $0x0  }
0xf4: {  	[sflag:s0] =	ssyncadd.s32 @!p0 s1  }
0xf5: {  	[bflag:$0x3] =	sbarrier.arrive $0xFFFF  }
0xf6: {  	_ =	shalt  }

</sc_bundles>
